<compile_context>
chip_gen: v7x
topology: tpu7x:2x2x1
jax: 0.10.2.dev20260603
libtpu: 0.0.44.dev20260713+nightly
codegen_flags: <defaults>
</compile_context>

<pallas_src>
import functools

import jax
import jax.numpy as jnp
from jax import lax
from jax.experimental import pallas as pl
from jax.experimental.pallas import tpu as pltpu
from jax.experimental.pallas import tpu_sc as plsc

B = 16384
STYLE_DIM = 64
D = 2 * STYLE_DIM
OUT_DIM = 128
N_COMBO_PAD = 16

_INV_SQRT2 = 0.7071067811865476


def _mlp_table_body(gt_ref, at_ref, w1_ref, b1_ref, w2_ref, b2_ref, out_ref):
    r = lax.broadcasted_iota(jnp.int32, (N_COMBO_PAD, 3), 0)
    j = lax.broadcasted_iota(jnp.int32, (N_COMBO_PAD, 3), 1)
    onehot_g = (r // 3 == j).astype(jnp.float32)
    onehot_a = (r % 3 == j).astype(jnp.float32)
    left = jnp.dot(onehot_g, gt_ref[...], preferred_element_type=jnp.float32)
    right = jnp.dot(onehot_a, at_ref[...], preferred_element_type=jnp.float32)
    z = (
        jnp.dot(left, w1_ref[0:STYLE_DIM, :], preferred_element_type=jnp.float32)
        + jnp.dot(right, w1_ref[STYLE_DIM:D, :], preferred_element_type=jnp.float32)
        + b1_ref[...]
    )
    g = 0.5 * z * (1.0 + lax.erf(z * _INV_SQRT2))
    out_ref[...] = (
        jnp.dot(g, w2_ref[...], preferred_element_type=jnp.float32) + b2_ref[...]
    )


_mlp_table = pl.pallas_call(
    _mlp_table_body,
    out_shape=jax.ShapeDtypeStruct((N_COMBO_PAD, OUT_DIM), jnp.float32),
)

_NC = 2
_NS = 16
_L = 16
_NW = _NC * _NS
_BPW = B // _NW
_CHUNK = 64
_NCHUNK = _BPW // _CHUNK


def _sc_gather_body(
    table_hbm, g_hbm, a_hbm, out_hbm, gv, av, iv, rows, shared_tab, gsem, osem
):
    sid = lax.axis_index("s")
    wid = sid * _NC + lax.axis_index("c")
    base = wid * _BPW
    id_cps = [
        pltpu.async_copy(g_hbm.at[pl.ds(base, _BPW)], gv, osem),
        pltpu.async_copy(a_hbm.at[pl.ds(base, _BPW)], av, osem),
    ]
    @pl.when(sid == 0)
    def _load_table():
        pltpu.sync_copy(table_hbm, shared_tab)

    for cp in id_cps:
        cp.wait()
    for c in range(_NCHUNK):
        for i in range(_CHUNK // _L):
            s = c * _CHUNK + i * _L
            iv[c, pl.ds(i * _L, _L)] = gv[pl.ds(s, _L)] * 3 + av[pl.ds(s, _L)]
    plsc.subcore_barrier()
    gather_cps = [
        pltpu.async_copy(
            shared_tab.at[iv.at[c]],
            rows.at[pl.ds(c * _CHUNK, _CHUNK)],
            gsem.at[c],
        )
        for c in range(_NCHUNK)
    ]
    out_cps = []
    for c in range(_NCHUNK):
        gather_cps[c].wait()
        out_cps.append(
            pltpu.async_copy(
                rows.at[pl.ds(c * _CHUNK, _CHUNK)],
                out_hbm.at[pl.ds(base + c * _CHUNK, _CHUNK)],
                osem,
            )
        )
    for cp in out_cps:
        cp.wait()


@functools.cache
def _sc_gather():
    mesh = plsc.VectorSubcoreMesh(
        core_axis_name="c", subcore_axis_name="s", num_cores=_NC, num_subcores=_NS
    )
    return pl.kernel(
        _sc_gather_body,
        mesh=mesh,
        out_type=jax.ShapeDtypeStruct((B, OUT_DIM), jnp.float32),
        name="combo_gather",
        scratch_types=[
            pltpu.VMEM((_BPW,), jnp.int32),
            pltpu.VMEM((_BPW,), jnp.int32),
            pltpu.VMEM((_NCHUNK, _CHUNK), jnp.int32),
            pltpu.VMEM((_BPW, OUT_DIM), jnp.float32),
            pltpu.VMEM_SHARED((N_COMBO_PAD, OUT_DIM), jnp.float32),
            pltpu.SemaphoreType.DMA((_NCHUNK,)),
            pltpu.SemaphoreType.DMA,
        ],
    )


def kernel(gender_ids, age_ids, gender_table, age_table, W1, b1, W2, b2):
    table = _mlp_table(
        gender_table, age_table, W1, b1.reshape(1, D), W2, b2.reshape(1, OUT_DIM)
    )
    return _sc_gather()(
        table, gender_ids.astype(jnp.int32), age_ids.astype(jnp.int32)
    )

# --- scband reference (transcript-rebuilt; emitter-appended) ---
"""Pipeline reference for scband-demographic-attribute-embedder-18597208391703 (READ-ONLY COPY).

The authoritative reference and input builder live on the scoring server;
editing this copy changes nothing except your own understanding.
"""

import jax, jax.numpy as jnp
import numpy as np

B = 16384
STYLE_DIM = 64
SPEAKER_DIM = 128
N_GENDER = 3
N_AGE = 3

def setup_inputs(seed: int = 0) -> dict:
    key = jax.random.key(seed)
    ks = jax.random.split(key, 8)
    gender_ids = jax.random.randint(ks[0], (B,), 0, N_GENDER, dtype=jnp.int64) if jax.config.jax_enable_x64 else jax.random.randint(ks[0], (B,), 0, N_GENDER, dtype=jnp.int32)
    age_ids = jax.random.randint(ks[1], (B,), 0, N_AGE, dtype=gender_ids.dtype)
    gender_table = jax.random.normal(ks[2], (N_GENDER, STYLE_DIM), dtype=jnp.float32)
    age_table = jax.random.normal(ks[3], (N_AGE, STYLE_DIM), dtype=jnp.float32)
    d = STYLE_DIM * 2
    W1 = jax.random.normal(ks[4], (d, d), dtype=jnp.float32) * (1.0 / np.sqrt(d))
    b1 = jnp.zeros((d,), dtype=jnp.float32)
    W2 = jax.random.normal(ks[5], (d, SPEAKER_DIM), dtype=jnp.float32) * (1.0 / np.sqrt(d))
    b2 = jnp.zeros((SPEAKER_DIM,), dtype=jnp.float32)
    return {"gender_ids": gender_ids, "age_ids": age_ids, "gender_table": gender_table, "age_table": age_table, "W1": W1, "b1": b1, "W2": W2, "b2": b2}

def reference(gender_ids, age_ids, gender_table, age_table, W1, b1, W2, b2):
    # embedding lookups (gather)
    g = jnp.take(gender_table, gender_ids, axis=0)   # (B, style_dim)
    a = jnp.take(age_table, age_ids, axis=0)         # (B, style_dim)
    h = jnp.concatenate([g, a], axis=-1)             # (B, 2*style_dim)
    h = h @ W1 + b1
    h = jax.nn.gelu(h, approximate=False)            # torch nn.GELU default = exact erf
    out = h @ W2 + b2                                # (B, speaker_dim)
    return out

if __name__ == "__main__":
    import jax
    _d = setup_inputs()
    print(jax.jit(kernel)(*tuple(_d.values())))

</pallas_src>

<mosaic_0001>
#map = affine_map<(d0, d1) -> (0, 0)>
#map1 = affine_map<(d0, d1) -> (0)>
module attributes {stable_mosaic.version = 14 : i64} {
  func.func @combo_gather(%arg0: i32, %arg1: i32, %arg2: memref<16x128xf32, #tpu.memory_space<hbm>>, %arg3: memref<16384xi32, #tpu.memory_space<hbm>>, %arg4: memref<16384xi32, #tpu.memory_space<hbm>>, %arg5: memref<16384x128xf32, #tpu.memory_space<hbm>>, %arg6: memref<512xi32, #tpu.memory_space<vmem>>, %arg7: memref<512xi32, #tpu.memory_space<vmem>>, %arg8: memref<8x64xi32, #tpu.memory_space<vmem>>, %arg9: memref<512x128xf32, #tpu.memory_space<vmem>>, %arg10: memref<16x128xf32, #tpu.memory_space<vmem_shared>>, %arg11: memref<8x!tpu.dma_semaphore, #tpu.memory_space<semaphore_mem>>, %arg12: memref<!tpu.dma_semaphore, #tpu.memory_space<semaphore_mem>>) attributes {dimension_semantics = [#tpu.dimension_semantics<core_parallel>, #tpu.dimension_semantics<subcore_parallel>], iteration_bounds = array<i64: 2, 16>, scalar_prefetch = 0 : i64, scratch_operands = 7 : i64, tpu.core_type = #tpu.core_type<sc_vector_subcore>, window_params = [{transform_indices = #map}, {transform_indices = #map1}, {transform_indices = #map1}, {transform_indices = #map}]} {
    %mul3A = arith.constant 2 : i32
    %mul3A_0 = arith.muli %arg1, %mul3A : i32
    %add3A = arith.addi %mul3A_0, %arg0 : i32
    %mul3A_1 = arith.constant 512 : i32
    %mul3A_2 = arith.muli %add3A, %mul3A_1 : i32
    %dma_start3A = tpu.memref_slice %arg3[%mul3A_2] : memref<16384xi32, #tpu.memory_space<hbm>> -> memref<512xi32, #tpu.memory_space<hbm>>
    %dma_start3A_3 = tpu.memref_slice %arg3[%mul3A_2] : memref<16384xi32, #tpu.memory_space<hbm>> -> memref<512xi32, #tpu.memory_space<hbm>>
    tpu.enqueue_dma source(%dma_start3A_3 : memref<512xi32, #tpu.memory_space<hbm>>) target(%arg6 : memref<512xi32, #tpu.memory_space<vmem>>) target_semaphore(%arg12 : memref<!tpu.dma_semaphore, #tpu.memory_space<semaphore_mem>>)
    %dma_start3A_4 = tpu.memref_slice %arg4[%mul3A_2] : memref<16384xi32, #tpu.memory_space<hbm>> -> memref<512xi32, #tpu.memory_space<hbm>>
    %dma_start3A_5 = tpu.memref_slice %arg4[%mul3A_2] : memref<16384xi32, #tpu.memory_space<hbm>> -> memref<512xi32, #tpu.memory_space<hbm>>
    tpu.enqueue_dma source(%dma_start3A_5 : memref<512xi32, #tpu.memory_space<hbm>>) target(%arg7 : memref<512xi32, #tpu.memory_space<vmem>>) target_semaphore(%arg12 : memref<!tpu.dma_semaphore, #tpu.memory_space<semaphore_mem>>)
    %eq3A = arith.constant 0 : i32
    %eq3A_6 = arith.cmpi eq, %arg1, %eq3A : i32
    %convert_element_type3A = arith.extui %eq3A_6 : i1 to i32
    %cond3A = arith.constant 0 : i32
    %cond3A_7 = arith.cmpi ne, %convert_element_type3A, %cond3A : i32
    scf.if %cond3A_7 {
      "tpu.region"() ({
        %run_scoped3A = tpu.sem_alloc : memref<!tpu.dma_semaphore, #tpu.memory_space<semaphore_mem>>
        tpu.enqueue_dma source(%arg2 : memref<16x128xf32, #tpu.memory_space<hbm>>) target(%arg10 : memref<16x128xf32, #tpu.memory_space<vmem_shared>>) target_semaphore(%run_scoped3A : memref<!tpu.dma_semaphore, #tpu.memory_space<semaphore_mem>>)
        tpu.wait_dma2 semaphore(%run_scoped3A : memref<!tpu.dma_semaphore, #tpu.memory_space<semaphore_mem>>) src(%arg2 : memref<16x128xf32, #tpu.memory_space<hbm>>) dst(%arg10 : memref<16x128xf32, #tpu.memory_space<vmem_shared>>)
        tpu.yield
      }) : () -> ()
    } else {
    }
    %dma_wait3A = tpu.memref_slice %arg3[%mul3A_2] : memref<16384xi32, #tpu.memory_space<hbm>> -> memref<512xi32, #tpu.memory_space<hbm>>
    %dma_wait3A_8 = tpu.memref_slice %arg3[%mul3A_2] : memref<16384xi32, #tpu.memory_space<hbm>> -> memref<512xi32, #tpu.memory_space<hbm>>
    tpu.wait_dma2 semaphore(%arg12 : memref<!tpu.dma_semaphore, #tpu.memory_space<semaphore_mem>>) src(%dma_wait3A_8 : memref<512xi32, #tpu.memory_space<hbm>>) dst(%arg6 : memref<512xi32, #tpu.memory_space<vmem>>)
    %dma_wait3A_9 = tpu.memref_slice %arg4[%mul3A_2] : memref<16384xi32, #tpu.memory_space<hbm>> -> memref<512xi32, #tpu.memory_space<hbm>>
    %dma_wait3A_10 = tpu.memref_slice %arg4[%mul3A_2] : memref<16384xi32, #tpu.memory_space<hbm>> -> memref<512xi32, #tpu.memory_space<hbm>>
    tpu.wait_dma2 semaphore(%arg12 : memref<!tpu.dma_semaphore, #tpu.memory_space<semaphore_mem>>) src(%dma_wait3A_10 : memref<512xi32, #tpu.memory_space<hbm>>) dst(%arg7 : memref<512xi32, #tpu.memory_space<vmem>>)
    %get3A = arith.constant 0 : index
    %get3A_11 = tpu.vector_load %arg6[%get3A] {strides = array<i32>} : memref<512xi32, #tpu.memory_space<vmem>>, vector<16xi32>,
    %get3A_12 = vector.shape_cast %get3A_11 : vector<16xi32> to vector<16xi32>
    %mul3A_13 = arith.constant 3 : i32
    %mul3A_14 = vector.broadcast %mul3A_13 : i32 to vector<16xi32>
    %mul3A_15 = arith.muli %get3A_12, %mul3A_14 : vector<16xi32>
    %get3A_16 = arith.constant 0 : index
    %get3A_17 = tpu.vector_load %arg7[%get3A_16] {strides = array<i32>} : memref<512xi32, #tpu.memory_space<vmem>>, vector<16xi32>,
    %get3A_18 = vector.shape_cast %get3A_17 : vector<16xi32> to vector<16xi32>
    %add3A_19 = arith.addi %mul3A_15, %get3A_18 : vector<16xi32>
    %swap3A = arith.constant 0 : i32
    %swap3A_20 = arith.index_cast %swap3A : i32 to index
    %swap3A_21 = arith.constant 0 : index
    %swap3A_22 = tpu.vector_load %arg8[%swap3A_20, %swap3A_21] {strides = array<i32>} : memref<8x64xi32, #tpu.memory_space<vmem>>, vector<1x16xi32>,
    %swap3A_23 = vector.shape_cast %swap3A_22 : vector<1x16xi32> to vector<16xi32>
    %swap3A_24 = vector.shape_cast %add3A_19 : vector<16xi32> to vector<1x16xi32>
    tpu.vector_store %arg8[%swap3A_20, %swap3A_21], %swap3A_24 {strides = array<i32>} : memref<8x64xi32, #tpu.memory_space<vmem>>, vector<1x16xi32>,
    %get3A_25 = arith.constant 16 : index
    %get3A_26 = tpu.vector_load %arg6[%get3A_25] {strides = array<i32>} : memref<512xi32, #tpu.memory_space<vmem>>, vector<16xi32>,
    %get3A_27 = vector.shape_cast %get3A_26 : vector<16xi32> to vector<16xi32>
    %mul3A_28 = arith.constant 3 : i32
    %mul3A_29 = vector.broadcast %mul3A_28 : i32 to vector<16xi32>
    %mul3A_30 = arith.muli %get3A_27, %mul3A_29 : vector<16xi32>
    %get3A_31 = arith.constant 16 : index
    %get3A_32 = tpu.vector_load %arg7[%get3A_31] {strides = array<i32>} : memref<512xi32, #tpu.memory_space<vmem>>, vector<16xi32>,
    %get3A_33 = vector.shape_cast %get3A_32 : vector<16xi32> to vector<16xi32>
    %add3A_34 = arith.addi %mul3A_30, %get3A_33 : vector<16xi32>
    %swap3A_35 = arith.constant 0 : i32
    %swap3A_36 = arith.index_cast %swap3A_35 : i32 to index
    %swap3A_37 = arith.constant 16 : index
    %swap3A_38 = tpu.vector_load %arg8[%swap3A_36, %swap3A_37] {strides = array<i32>} : memref<8x64xi32, #tpu.memory_space<vmem>>, vector<1x16xi32>,
    %swap3A_39 = vector.shape_cast %swap3A_38 : vector<1x16xi32> to vector<16xi32>
    %swap3A_40 = vector.shape_cast %add3A_34 : vector<16xi32> to vector<1x16xi32>
    tpu.vector_store %arg8[%swap3A_36, %swap3A_37], %swap3A_40 {strides = array<i32>} : memref<8x64xi32, #tpu.memory_space<vmem>>, vector<1x16xi32>,
    %get3A_41 = arith.constant 32 : index
    %get3A_42 = tpu.vector_load %arg6[%get3A_41] {strides = array<i32>} : memref<512xi32, #tpu.memory_space<vmem>>, vector<16xi32>,
    %get3A_43 = vector.shape_cast %get3A_42 : vector<16xi32> to vector<16xi32>
    %mul3A_44 = arith.constant 3 : i32
    %mul3A_45 = vector.broadcast %mul3A_44 : i32 to vector<16xi32>
    %mul3A_46 = arith.muli %get3A_43, %mul3A_45 : vector<16xi32>
    %get3A_47 = arith.constant 32 : index
    %get3A_48 = tpu.vector_load %arg7[%get3A_47] {strides = array<i32>} : memref<512xi32, #tpu.memory_space<vmem>>, vector<16xi32>,
    %get3A_49 = vector.shape_cast %get3A_48 : vector<16xi32> to vector<16xi32>
    %add3A_50 = arith.addi %mul3A_46, %get3A_49 : vector<16xi32>
    %swap3A_51 = arith.constant 0 : i32
    %swap3A_52 = arith.index_cast %swap3A_51 : i32 to index
    %swap3A_53 = arith.constant 32 : index
    %swap3A_54 = tpu.vector_load %arg8[%swap3A_52, %swap3A_53] {strides = array<i32>} : memref<8x64xi32, #tpu.memory_space<vmem>>, vector<1x16xi32>,
    %swap3A_55 = vector.shape_cast %swap3A_54 : vector<1x16xi32> to vector<16xi32>
    %swap3A_56 = vector.shape_cast %add3A_50 : vector<16xi32> to vector<1x16xi32>
    tpu.vector_store %arg8[%swap3A_52, %swap3A_53], %swap3A_56 {strides = array<i32>} : memref<8x64xi32, #tpu.memory_space<vmem>>, vector<1x16xi32>,
    %get3A_57 = arith.constant 48 : index
    %get3A_58 = tpu.vector_load %arg6[%get3A_57] {strides = array<i32>} : memref<512xi32, #tpu.memory_space<vmem>>, vector<16xi32>,
    %get3A_59 = vector.shape_cast %get3A_58 : vector<16xi32> to vector<16xi32>
    %mul3A_60 = arith.constant 3 : i32
    %mul3A_61 = vector.broadcast %mul3A_60 : i32 to vector<16xi32>
    %mul3A_62 = arith.muli %get3A_59, %mul3A_61 : vector<16xi32>
    %get3A_63 = arith.constant 48 : index
    %get3A_64 = tpu.vector_load %arg7[%get3A_63] {strides = array<i32>} : memref<512xi32, #tpu.memory_space<vmem>>, vector<16xi32>,
    %get3A_65 = vector.shape_cast %get3A_64 : vector<16xi32> to vector<16xi32>
    %add3A_66 = arith.addi %mul3A_62, %get3A_65 : vector<16xi32>
    %swap3A_67 = arith.constant 0 : i32
    %swap3A_68 = arith.index_cast %swap3A_67 : i32 to index
    %swap3A_69 = arith.constant 48 : index
    %swap3A_70 = tpu.vector_load %arg8[%swap3A_68, %swap3A_69] {strides = array<i32>} : memref<8x64xi32, #tpu.memory_space<vmem>>, vector<1x16xi32>,
    %swap3A_71 = vector.shape_cast %swap3A_70 : vector<1x16xi32> to vector<16xi32>
    %swap3A_72 = vector.shape_cast %add3A_66 : vector<16xi32> to vector<1x16xi32>
    tpu.vector_store %arg8[%swap3A_68, %swap3A_69], %swap3A_72 {strides = array<i32>} : memref<8x64xi32, #tpu.memory_space<vmem>>, vector<1x16xi32>,
    %get3A_73 = arith.constant 64 : index
    %get3A_74 = tpu.vector_load %arg6[%get3A_73] {strides = array<i32>} : memref<512xi32, #tpu.memory_space<vmem>>, vector<16xi32>,
    %get3A_75 = vector.shape_cast %get3A_74 : vector<16xi32> to vector<16xi32>
    %mul3A_76 = arith.constant 3 : i32
    %mul3A_77 = vector.broadcast %mul3A_76 : i32 to vector<16xi32>
    %mul3A_78 = arith.muli %get3A_75, %mul3A_77 : vector<16xi32>
    %get3A_79 = arith.constant 64 : index
    %get3A_80 = tpu.vector_load %arg7[%get3A_79] {strides = array<i32>} : memref<512xi32, #tpu.memory_space<vmem>>, vector<16xi32>,
    %get3A_81 = vector.shape_cast %get3A_80 : vector<16xi32> to vector<16xi32>
    %add3A_82 = arith.addi %mul3A_78, %get3A_81 : vector<16xi32>
    %swap3A_83 = arith.constant 1 : i32
    %swap3A_84 = arith.index_cast %swap3A_83 : i32 to index
    %swap3A_85 = arith.constant 0 : index
    %swap3A_86 = tpu.vector_load %arg8[%swap3A_84, %swap3A_85] {strides = array<i32>} : memref<8x64xi32, #tpu.memory_space<vmem>>, vector<1x16xi32>,
    %swap3A_87 = vector.shape_cast %swap3A_86 : vector<1x16xi32> to vector<16xi32>
    %swap3A_88 = vector.shape_cast %add3A_82 : vector<16xi32> to vector<1x16xi32>
    tpu.vector_store %arg8[%swap3A_84, %swap3A_85], %swap3A_88 {strides = array<i32>} : memref<8x64xi32, #tpu.memory_space<vmem>>, vector<1x16xi32>,
    %get3A_89 = arith.constant 80 : index
    %get3A_90 = tpu.vector_load %arg6[%get3A_89] {strides = array<i32>} : memref<512xi32, #tpu.memory_space<vmem>>, vector<16xi32>,
    %get3A_91 = vector.shape_cast %get3A_90 : vector<16xi32> to vector<16xi32>
    %mul3A_92 = arith.constant 3 : i32
    %mul3A_93 = vector.broadcast %mul3A_92 : i32 to vector<16xi32>
    %mul3A_94 = arith.muli %get3A_91, %mul3A_93 : vector<16xi32>
    %get3A_95 = arith.constant 80 : index
    %get3A_96 = tpu.vector_load %arg7[%get3A_95] {strides = array<i32>} : memref<512xi32, #tpu.memory_space<vmem>>, vector<16xi32>,
    %get3A_97 = vector.shape_cast %get3A_96 : vector<16xi32> to vector<16xi32>
    %add3A_98 = arith.addi %mul3A_94, %get3A_97 : vector<16xi32>
    %swap3A_99 = arith.constant 1 : i32
    %swap3A_100 = arith.index_cast %swap3A_99 : i32 to index
    %swap3A_101 = arith.constant 16 : index
    %swap3A_102 = tpu.vector_load %arg8[%swap3A_100, %swap3A_101] {strides = array<i32>} : memref<8x64xi32, #tpu.memory_space<vmem>>, vector<1x16xi32>,
    %swap3A_103 = vector.shape_cast %swap3A_102 : vector<1x16xi32> to vector<16xi32>
    %swap3A_104 = vector.shape_cast %add3A_98 : vector<16xi32> to vector<1x16xi32>
    tpu.vector_store %arg8[%swap3A_100, %swap3A_101], %swap3A_104 {strides = array<i32>} : memref<8x64xi32, #tpu.memory_space<vmem>>, vector<1x16xi32>,
    %get3A_105 = arith.constant 96 : index
    %get3A_106 = tpu.vector_load %arg6[%get3A_105] {strides = array<i32>} : memref<512xi32, #tpu.memory_space<vmem>>, vector<16xi32>,
    %get3A_107 = vector.shape_cast %get3A_106 : vector<16xi32> to vector<16xi32>
    %mul3A_108 = arith.constant 3 : i32
    %mul3A_109 = vector.broadcast %mul3A_108 : i32 to vector<16xi32>
    %mul3A_110 = arith.muli %get3A_107, %mul3A_109 : vector<16xi32>
    %get3A_111 = arith.constant 96 : index
    %get3A_112 = tpu.vector_load %arg7[%get3A_111] {strides = array<i32>} : memref<512xi32, #tpu.memory_space<vmem>>, vector<16xi32>,
    %get3A_113 = vector.shape_cast %get3A_112 : vector<16xi32> to vector<16xi32>
    %add3A_114 = arith.addi %mul3A_110, %get3A_113 : vector<16xi32>
    %swap3A_115 = arith.constant 1 : i32
    %swap3A_116 = arith.index_cast %swap3A_115 : i32 to index
    %swap3A_117 = arith.constant 32 : index
    %swap3A_118 = tpu.vector_load %arg8[%swap3A_116, %swap3A_117] {strides = array<i32>} : memref<8x64xi32, #tpu.memory_space<vmem>>, vector<1x16xi32>,
    %swap3A_119 = vector.shape_cast %swap3A_118 : vector<1x16xi32> to vector<16xi32>
    %swap3A_120 = vector.shape_cast %add3A_114 : vector<16xi32> to vector<1x16xi32>
    tpu.vector_store %arg8[%swap3A_116, %swap3A_117], %swap3A_120 {strides = array<i32>} : memref<8x64xi32, #tpu.memory_space<vmem>>, vector<1x16xi32>,
    %get3A_121 = arith.constant 112 : index
    %get3A_122 = tpu.vector_load %arg6[%get3A_121] {strides = array<i32>} : memref<512xi32, #tpu.memory_space<vmem>>, vector<16xi32>,
    %get3A_123 = vector.shape_cast %get3A_122 : vector<16xi32> to vector<16xi32>
    %mul3A_124 = arith.constant 3 : i32
    %mul3A_125 = vector.broadcast %mul3A_124 : i32 to vector<16xi32>
    %mul3A_126 = arith.muli %get3A_123, %mul3A_125 : vector<16xi32>
    %get3A_127 = arith.constant 112 : index
    %get3A_128 = tpu.vector_load %arg7[%get3A_127] {strides = array<i32>} : memref<512xi32, #tpu.memory_space<vmem>>, vector<16xi32>,
    %get3A_129 = vector.shape_cast %get3A_128 : vector<16xi32> to vector<16xi32>
    %add3A_130 = arith.addi %mul3A_126, %get3A_129 : vector<16xi32>
    %swap3A_131 = arith.constant 1 : i32
    %swap3A_132 = arith.index_cast %swap3A_131 : i32 to index
    %swap3A_133 = arith.constant 48 : index
    %swap3A_134 = tpu.vector_load %arg8[%swap3A_132, %swap3A_133] {strides = array<i32>} : memref<8x64xi32, #tpu.memory_space<vmem>>, vector<1x16xi32>,
    %swap3A_135 = vector.shape_cast %swap3A_134 : vector<1x16xi32> to vector<16xi32>
    %swap3A_136 = vector.shape_cast %add3A_130 : vector<16xi32> to vector<1x16xi32>
    tpu.vector_store %arg8[%swap3A_132, %swap3A_133], %swap3A_136 {strides = array<i32>} : memref<8x64xi32, #tpu.memory_space<vmem>>, vector<1x16xi32>,
    %get3A_137 = arith.constant 128 : index
    %get3A_138 = tpu.vector_load %arg6[%get3A_137] {strides = array<i32>} : memref<512xi32, #tpu.memory_space<vmem>>, vector<16xi32>,
    %get3A_139 = vector.shape_cast %get3A_138 : vector<16xi32> to vector<16xi32>
    %mul3A_140 = arith.constant 3 : i32
    %mul3A_141 = vector.broadcast %mul3A_140 : i32 to vector<16xi32>
    %mul3A_142 = arith.muli %get3A_139, %mul3A_141 : vector<16xi32>
    %get3A_143 = arith.constant 128 : index
    %get3A_144 = tpu.vector_load %arg7[%get3A_143] {strides = array<i32>} : memref<512xi32, #tpu.memory_space<vmem>>, vector<16xi32>,
    %get3A_145 = vector.shape_cast %get3A_144 : vector<16xi32> to vector<16xi32>
    %add3A_146 = arith.addi %mul3A_142, %get3A_145 : vector<16xi32>
    %swap3A_147 = arith.constant 2 : i32
    %swap3A_148 = arith.index_cast %swap3A_147 : i32 to index
    %swap3A_149 = arith.constant 0 : index
    %swap3A_150 = tpu.vector_load %arg8[%swap3A_148, %swap3A_149] {strides = array<i32>} : memref<8x64xi32, #tpu.memory_space<vmem>>, vector<1x16xi32>,
    %swap3A_151 = vector.shape_cast %swap3A_150 : vector<1x16xi32> to vector<16xi32>
    %swap3A_152 = vector.shape_cast %add3A_146 : vector<16xi32> to vector<1x16xi32>
    tpu.vector_store %arg8[%swap3A_148, %swap3A_149], %swap3A_152 {strides = array<i32>} : memref<8x64xi32, #tpu.memory_space<vmem>>, vector<1x16xi32>,
    %get3A_153 = arith.constant 144 : index
    %get3A_154 = tpu.vector_load %arg6[%get3A_153] {strides = array<i32>} : memref<512xi32, #tpu.memory_space<vmem>>, vector<16xi32>,
    %get3A_155 = vector.shape_cast %get3A_154 : vector<16xi32> to vector<16xi32>
    %mul3A_156 = arith.constant 3 : i32
    %mul3A_157 = vector.broadcast %mul3A_156 : i32 to vector<16xi32>
    %mul3A_158 = arith.muli %get3A_155, %mul3A_157 : vector<16xi32>
    %get3A_159 = arith.constant 144 : index
    %get3A_160 = tpu.vector_load %arg7[%get3A_159] {strides = array<i32>} : memref<512xi32, #tpu.memory_space<vmem>>, vector<16xi32>,
    %get3A_161 = vector.shape_cast %get3A_160 : vector<16xi32> to vector<16xi32>
    %add3A_162 = arith.addi %mul3A_158, %get3A_161 : vector<16xi32>
    %swap3A_163 = arith.constant 2 : i32
    %swap3A_164 = arith.index_cast %swap3A_163 : i32 to index
    %swap3A_165 = arith.constant 16 : index
    %swap3A_166 = tpu.vector_load %arg8[%swap3A_164, %swap3A_165] {strides = array<i32>} : memref<8x64xi32, #tpu.memory_space<vmem>>, vector<1x16xi32>,
    %swap3A_167 = vector.shape_cast %swap3A_166 : vector<1x16xi32> to vector<16xi32>
    %swap3A_168 = vector.shape_cast %add3A_162 : vector<16xi32> to vector<1x16xi32>
    tpu.vector_store %arg8[%swap3A_164, %swap3A_165], %swap3A_168 {strides = array<i32>} : memref<8x64xi32, #tpu.memory_space<vmem>>, vector<1x16xi32>,
    %get3A_169 = arith.constant 160 : index
    %get3A_170 = tpu.vector_load %arg6[%get3A_169] {strides = array<i32>} : memref<512xi32, #tpu.memory_space<vmem>>, vector<16xi32>,
    %get3A_171 = vector.shape_cast %get3A_170 : vector<16xi32> to vector<16xi32>
    %mul3A_172 = arith.constant 3 : i32
    %mul3A_173 = vector.broadcast %mul3A_172 : i32 to vector<16xi32>
    %mul3A_174 = arith.muli %get3A_171, %mul3A_173 : vector<16xi32>
    %get3A_175 = arith.constant 160 : index
    %get3A_176 = tpu.vector_load %arg7[%get3A_175] {strides = array<i32>} : memref<512xi32, #tpu.memory_space<vmem>>, vector<16xi32>,
    %get3A_177 = vector.shape_cast %get3A_176 : vector<16xi32> to vector<16xi32>
    %add3A_178 = arith.addi %mul3A_174, %get3A_177 : vector<16xi32>
    %swap3A_179 = arith.constant 2 : i32
    %swap3A_180 = arith.index_cast %swap3A_179 : i32 to index
    %swap3A_181 = arith.constant 32 : index
    %swap3A_182 = tpu.vector_load %arg8[%swap3A_180, %swap3A_181] {strides = array<i32>} : memref<8x64xi32, #tpu.memory_space<vmem>>, vector<1x16xi32>,
    %swap3A_183 = vector.shape_cast %swap3A_182 : vector<1x16xi32> to vector<16xi32>
    %swap3A_184 = vector.shape_cast %add3A_178 : vector<16xi32> to vector<1x16xi32>
    tpu.vector_store %arg8[%swap3A_180, %swap3A_181], %swap3A_184 {strides = array<i32>} : memref<8x64xi32, #tpu.memory_space<vmem>>, vector<1x16xi32>,
    %get3A_185 = arith.constant 176 : index
    %get3A_186 = tpu.vector_load %arg6[%get3A_185] {strides = array<i32>} : memref<512xi32, #tpu.memory_space<vmem>>, vector<16xi32>,
    %get3A_187 = vector.shape_cast %get3A_186 : vector<16xi32> to vector<16xi32>
    %mul3A_188 = arith.constant 3 : i32
    %mul3A_189 = vector.broadcast %mul3A_188 : i32 to vector<16xi32>
    %mul3A_190 = arith.muli %get3A_187, %mul3A_189 : vector<16xi32>
    %get3A_191 = arith.constant 176 : index
    %get3A_192 = tpu.vector_load %arg7[%get3A_191] {strides = array<i32>} : memref<512xi32, #tpu.memory_space<vmem>>, vector<16xi32>,
    %get3A_193 = vector.shape_cast %get3A_192 : vector<16xi32> to vector<16xi32>
    %add3A_194 = arith.addi %mul3A_190, %get3A_193 : vector<16xi32>
    %swap3A_195 = arith.constant 2 : i32
    %swap3A_196 = arith.index_cast %swap3A_195 : i32 to index
    %swap3A_197 = arith.constant 48 : index
    %swap3A_198 = tpu.vector_load %arg8[%swap3A_196, %swap3A_197] {strides = array<i32>} : memref<8x64xi32, #tpu.memory_space<vmem>>, vector<1x16xi32>,
    %swap3A_199 = vector.shape_cast %swap3A_198 : vector<1x16xi32> to vector<16xi32>
    %swap3A_200 = vector.shape_cast %add3A_194 : vector<16xi32> to vector<1x16xi32>
    tpu.vector_store %arg8[%swap3A_196, %swap3A_197], %swap3A_200 {strides = array<i32>} : memref<8x64xi32, #tpu.memory_space<vmem>>, vector<1x16xi32>,
    %get3A_201 = arith.constant 192 : index
    %get3A_202 = tpu.vector_load %arg6[%get3A_201] {strides = array<i32>} : memref<512xi32, #tpu.memory_space<vmem>>, vector<16xi32>,
    %get3A_203 = vector.shape_cast %get3A_202 : vector<16xi32> to vector<16xi32>
    %mul3A_204 = arith.constant 3 : i32
    %mul3A_205 = vector.broadcast %mul3A_204 : i32 to vector<16xi32>
    %mul3A_206 = arith.muli %get3A_203, %mul3A_205 : vector<16xi32>
    %get3A_207 = arith.constant 192 : index
    %get3A_208 = tpu.vector_load %arg7[%get3A_207] {strides = array<i32>} : memref<512xi32, #tpu.memory_space<vmem>>, vector<16xi32>,
    %get3A_209 = vector.shape_cast %get3A_208 : vector<16xi32> to vector<16xi32>
    %add3A_210 = arith.addi %mul3A_206, %get3A_209 : vector<16xi32>
    %swap3A_211 = arith.constant 3 : i32
    %swap3A_212 = arith.index_cast %swap3A_211 : i32 to index
    %swap3A_213 = arith.constant 0 : index
    %swap3A_214 = tpu.vector_load %arg8[%swap3A_212, %swap3A_213] {strides = array<i32>} : memref<8x64xi32, #tpu.memory_space<vmem>>, vector<1x16xi32>,
    %swap3A_215 = vector.shape_cast %swap3A_214 : vector<1x16xi32> to vector<16xi32>
    %swap3A_216 = vector.shape_cast %add3A_210 : vector<16xi32> to vector<1x16xi32>
    tpu.vector_store %arg8[%swap3A_212, %swap3A_213], %swap3A_216 {strides = array<i32>} : memref<8x64xi32, #tpu.memory_space<vmem>>, vector<1x16xi32>,
    %get3A_217 = arith.constant 208 : index
    %get3A_218 = tpu.vector_load %arg6[%get3A_217] {strides = array<i32>} : memref<512xi32, #tpu.memory_space<vmem>>, vector<16xi32>,
    %get3A_219 = vector.shape_cast %get3A_218 : vector<16xi32> to vector<16xi32>
    %mul3A_220 = arith.constant 3 : i32
    %mul3A_221 = vector.broadcast %mul3A_220 : i32 to vector<16xi32>
    %mul3A_222 = arith.muli %get3A_219, %mul3A_221 : vector<16xi32>
    %get3A_223 = arith.constant 208 : index
    %get3A_224 = tpu.vector_load %arg7[%get3A_223] {strides = array<i32>} : memref<512xi32, #tpu.memory_space<vmem>>, vector<16xi32>,
    %get3A_225 = vector.shape_cast %get3A_224 : vector<16xi32> to vector<16xi32>
    %add3A_226 = arith.addi %mul3A_222, %get3A_225 : vector<16xi32>
    %swap3A_227 = arith.constant 3 : i32
    %swap3A_228 = arith.index_cast %swap3A_227 : i32 to index
    %swap3A_229 = arith.constant 16 : index
    %swap3A_230 = tpu.vector_load %arg8[%swap3A_228, %swap3A_229] {strides = array<i32>} : memref<8x64xi32, #tpu.memory_space<vmem>>, vector<1x16xi32>,
    %swap3A_231 = vector.shape_cast %swap3A_230 : vector<1x16xi32> to vector<16xi32>
    %swap3A_232 = vector.shape_cast %add3A_226 : vector<16xi32> to vector<1x16xi32>
    tpu.vector_store %arg8[%swap3A_228, %swap3A_229], %swap3A_232 {strides = array<i32>} : memref<8x64xi32, #tpu.memory_space<vmem>>, vector<1x16xi32>,
    %get3A_233 = arith.constant 224 : index
    %get3A_234 = tpu.vector_load %arg6[%get3A_233] {strides = array<i32>} : memref<512xi32, #tpu.memory_space<vmem>>, vector<16xi32>,
    %get3A_235 = vector.shape_cast %get3A_234 : vector<16xi32> to vector<16xi32>
    %mul3A_236 = arith.constant 3 : i32
    %mul3A_237 = vector.broadcast %mul3A_236 : i32 to vector<16xi32>
    %mul3A_238 = arith.muli %get3A_235, %mul3A_237 : vector<16xi32>
    %get3A_239 = arith.constant 224 : index
    %get3A_240 = tpu.vector_load %arg7[%get3A_239] {strides = array<i32>} : memref<512xi32, #tpu.memory_space<vmem>>, vector<16xi32>,
    %get3A_241 = vector.shape_cast %get3A_240 : vector<16xi32> to vector<16xi32>
    %add3A_242 = arith.addi %mul3A_238, %get3A_241 : vector<16xi32>
    %swap3A_243 = arith.constant 3 : i32
    %swap3A_244 = arith.index_cast %swap3A_243 : i32 to index
    %swap3A_245 = arith.constant 32 : index
    %swap3A_246 = tpu.vector_load %arg8[%swap3A_244, %swap3A_245] {strides = array<i32>} : memref<8x64xi32, #tpu.memory_space<vmem>>, vector<1x16xi32>,
    %swap3A_247 = vector.shape_cast %swap3A_246 : vector<1x16xi32> to vector<16xi32>
    %swap3A_248 = vector.shape_cast %add3A_242 : vector<16xi32> to vector<1x16xi32>
    tpu.vector_store %arg8[%swap3A_244, %swap3A_245], %swap3A_248 {strides = array<i32>} : memref<8x64xi32, #tpu.memory_space<vmem>>, vector<1x16xi32>,
    %get3A_249 = arith.constant 240 : index
    %get3A_250 = tpu.vector_load %arg6[%get3A_249] {strides = array<i32>} : memref<512xi32, #tpu.memory_space<vmem>>, vector<16xi32>,
    %get3A_251 = vector.shape_cast %get3A_250 : vector<16xi32> to vector<16xi32>
    %mul3A_252 = arith.constant 3 : i32
    %mul3A_253 = vector.broadcast %mul3A_252 : i32 to vector<16xi32>
    %mul3A_254 = arith.muli %get3A_251, %mul3A_253 : vector<16xi32>
    %get3A_255 = arith.constant 240 : index
    %get3A_256 = tpu.vector_load %arg7[%get3A_255] {strides = array<i32>} : memref<512xi32, #tpu.memory_space<vmem>>, vector<16xi32>,
    %get3A_257 = vector.shape_cast %get3A_256 : vector<16xi32> to vector<16xi32>
    %add3A_258 = arith.addi %mul3A_254, %get3A_257 : vector<16xi32>
    %swap3A_259 = arith.constant 3 : i32
    %swap3A_260 = arith.index_cast %swap3A_259 : i32 to index
    %swap3A_261 = arith.constant 48 : index
    %swap3A_262 = tpu.vector_load %arg8[%swap3A_260, %swap3A_261] {strides = array<i32>} : memref<8x64xi32, #tpu.memory_space<vmem>>, vector<1x16xi32>,
    %swap3A_263 = vector.shape_cast %swap3A_262 : vector<1x16xi32> to vector<16xi32>
    %swap3A_264 = vector.shape_cast %add3A_258 : vector<16xi32> to vector<1x16xi32>
    tpu.vector_store %arg8[%swap3A_260, %swap3A_261], %swap3A_264 {strides = array<i32>} : memref<8x64xi32, #tpu.memory_space<vmem>>, vector<1x16xi32>,
    %get3A_265 = arith.constant 256 : index
    %get3A_266 = tpu.vector_load %arg6[%get3A_265] {strides = array<i32>} : memref<512xi32, #tpu.memory_space<vmem>>, vector<16xi32>,
    %get3A_267 = vector.shape_cast %get3A_266 : vector<16xi32> to vector<16xi32>
    %mul3A_268 = arith.constant 3 : i32
    %mul3A_269 = vector.broadcast %mul3A_268 : i32 to vector<16xi32>
    %mul3A_270 = arith.muli %get3A_267, %mul3A_269 : vector<16xi32>
    %get3A_271 = arith.constant 256 : index
    %get3A_272 = tpu.vector_load %arg7[%get3A_271] {strides = array<i32>} : memref<512xi32, #tpu.memory_space<vmem>>, vector<16xi32>,
    %get3A_273 = vector.shape_cast %get3A_272 : vector<16xi32> to vector<16xi32>
    %add3A_274 = arith.addi %mul3A_270, %get3A_273 : vector<16xi32>
    %swap3A_275 = arith.constant 4 : i32
    %swap3A_276 = arith.index_cast %swap3A_275 : i32 to index
    %swap3A_277 = arith.constant 0 : index
    %swap3A_278 = tpu.vector_load %arg8[%swap3A_276, %swap3A_277] {strides = array<i32>} : memref<8x64xi32, #tpu.memory_space<vmem>>, vector<1x16xi32>,
    %swap3A_279 = vector.shape_cast %swap3A_278 : vector<1x16xi32> to vector<16xi32>
    %swap3A_280 = vector.shape_cast %add3A_274 : vector<16xi32> to vector<1x16xi32>
    tpu.vector_store %arg8[%swap3A_276, %swap3A_277], %swap3A_280 {strides = array<i32>} : memref<8x64xi32, #tpu.memory_space<vmem>>, vector<1x16xi32>,
    %get3A_281 = arith.constant 272 : index
    %get3A_282 = tpu.vector_load %arg6[%get3A_281] {strides = array<i32>} : memref<512xi32, #tpu.memory_space<vmem>>, vector<16xi32>,
    %get3A_283 = vector.shape_cast %get3A_282 : vector<16xi32> to vector<16xi32>
    %mul3A_284 = arith.constant 3 : i32
    %mul3A_285 = vector.broadcast %mul3A_284 : i32 to vector<16xi32>
    %mul3A_286 = arith.muli %get3A_283, %mul3A_285 : vector<16xi32>
    %get3A_287 = arith.constant 272 : index
    %get3A_288 = tpu.vector_load %arg7[%get3A_287] {strides = array<i32>} : memref<512xi32, #tpu.memory_space<vmem>>, vector<16xi32>,
    %get3A_289 = vector.shape_cast %get3A_288 : vector<16xi32> to vector<16xi32>
    %add3A_290 = arith.addi %mul3A_286, %get3A_289 : vector<16xi32>
    %swap3A_291 = arith.constant 4 : i32
    %swap3A_292 = arith.index_cast %swap3A_291 : i32 to index
    %swap3A_293 = arith.constant 16 : index
    %swap3A_294 = tpu.vector_load %arg8[%swap3A_292, %swap3A_293] {strides = array<i32>} : memref<8x64xi32, #tpu.memory_space<vmem>>, vector<1x16xi32>,
    %swap3A_295 = vector.shape_cast %swap3A_294 : vector<1x16xi32> to vector<16xi32>
    %swap3A_296 = vector.shape_cast %add3A_290 : vector<16xi32> to vector<1x16xi32>
    tpu.vector_store %arg8[%swap3A_292, %swap3A_293], %swap3A_296 {strides = array<i32>} : memref<8x64xi32, #tpu.memory_space<vmem>>, vector<1x16xi32>,
    %get3A_297 = arith.constant 288 : index
    %get3A_298 = tpu.vector_load %arg6[%get3A_297] {strides = array<i32>} : memref<512xi32, #tpu.memory_space<vmem>>, vector<16xi32>,
    %get3A_299 = vector.shape_cast %get3A_298 : vector<16xi32> to vector<16xi32>
    %mul3A_300 = arith.constant 3 : i32
    %mul3A_301 = vector.broadcast %mul3A_300 : i32 to vector<16xi32>
    %mul3A_302 = arith.muli %get3A_299, %mul3A_301 : vector<16xi32>
    %get3A_303 = arith.constant 288 : index
    %get3A_304 = tpu.vector_load %arg7[%get3A_303] {strides = array<i32>} : memref<512xi32, #tpu.memory_space<vmem>>, vector<16xi32>,
    %get3A_305 = vector.shape_cast %get3A_304 : vector<16xi32> to vector<16xi32>
    %add3A_306 = arith.addi %mul3A_302, %get3A_305 : vector<16xi32>
    %swap3A_307 = arith.constant 4 : i32
    %swap3A_308 = arith.index_cast %swap3A_307 : i32 to index
    %swap3A_309 = arith.constant 32 : index
    %swap3A_310 = tpu.vector_load %arg8[%swap3A_308, %swap3A_309] {strides = array<i32>} : memref<8x64xi32, #tpu.memory_space<vmem>>, vector<1x16xi32>,
    %swap3A_311 = vector.shape_cast %swap3A_310 : vector<1x16xi32> to vector<16xi32>
    %swap3A_312 = vector.shape_cast %add3A_306 : vector<16xi32> to vector<1x16xi32>
    tpu.vector_store %arg8[%swap3A_308, %swap3A_309], %swap3A_312 {strides = array<i32>} : memref<8x64xi32, #tpu.memory_space<vmem>>, vector<1x16xi32>,
    %get3A_313 = arith.constant 304 : index
    %get3A_314 = tpu.vector_load %arg6[%get3A_313] {strides = array<i32>} : memref<512xi32, #tpu.memory_space<vmem>>, vector<16xi32>,
    %get3A_315 = vector.shape_cast %get3A_314 : vector<16xi32> to vector<16xi32>
    %mul3A_316 = arith.constant 3 : i32
    %mul3A_317 = vector.broadcast %mul3A_316 : i32 to vector<16xi32>
    %mul3A_318 = arith.muli %get3A_315, %mul3A_317 : vector<16xi32>
    %get3A_319 = arith.constant 304 : index
    %get3A_320 = tpu.vector_load %arg7[%get3A_319] {strides = array<i32>} : memref<512xi32, #tpu.memory_space<vmem>>, vector<16xi32>,
    %get3A_321 = vector.shape_cast %get3A_320 : vector<16xi32> to vector<16xi32>
    %add3A_322 = arith.addi %mul3A_318, %get3A_321 : vector<16xi32>
    %swap3A_323 = arith.constant 4 : i32
    %swap3A_324 = arith.index_cast %swap3A_323 : i32 to index
    %swap3A_325 = arith.constant 48 : index
    %swap3A_326 = tpu.vector_load %arg8[%swap3A_324, %swap3A_325] {strides = array<i32>} : memref<8x64xi32, #tpu.memory_space<vmem>>, vector<1x16xi32>,
    %swap3A_327 = vector.shape_cast %swap3A_326 : vector<1x16xi32> to vector<16xi32>
    %swap3A_328 = vector.shape_cast %add3A_322 : vector<16xi32> to vector<1x16xi32>
    tpu.vector_store %arg8[%swap3A_324, %swap3A_325], %swap3A_328 {strides = array<i32>} : memref<8x64xi32, #tpu.memory_space<vmem>>, vector<1x16xi32>,
    %get3A_329 = arith.constant 320 : index
    %get3A_330 = tpu.vector_load %arg6[%get3A_329] {strides = array<i32>} : memref<512xi32, #tpu.memory_space<vmem>>, vector<16xi32>,
    %get3A_331 = vector.shape_cast %get3A_330 : vector<16xi32> to vector<16xi32>
    %mul3A_332 = arith.constant 3 : i32
    %mul3A_333 = vector.broadcast %mul3A_332 : i32 to vector<16xi32>
    %mul3A_334 = arith.muli %get3A_331, %mul3A_333 : vector<16xi32>
    %get3A_335 = arith.constant 320 : index
    %get3A_336 = tpu.vector_load %arg7[%get3A_335] {strides = array<i32>} : memref<512xi32, #tpu.memory_space<vmem>>, vector<16xi32>,
    %get3A_337 = vector.shape_cast %get3A_336 : vector<16xi32> to vector<16xi32>
    %add3A_338 = arith.addi %mul3A_334, %get3A_337 : vector<16xi32>
    %swap3A_339 = arith.constant 5 : i32
    %swap3A_340 = arith.index_cast %swap3A_339 : i32 to index
    %swap3A_341 = arith.constant 0 : index
    %swap3A_342 = tpu.vector_load %arg8[%swap3A_340, %swap3A_341] {strides = array<i32>} : memref<8x64xi32, #tpu.memory_space<vmem>>, vector<1x16xi32>,
    %swap3A_343 = vector.shape_cast %swap3A_342 : vector<1x16xi32> to vector<16xi32>
    %swap3A_344 = vector.shape_cast %add3A_338 : vector<16xi32> to vector<1x16xi32>
    tpu.vector_store %arg8[%swap3A_340, %swap3A_341], %swap3A_344 {strides = array<i32>} : memref<8x64xi32, #tpu.memory_space<vmem>>, vector<1x16xi32>,
    %get3A_345 = arith.constant 336 : index
    %get3A_346 = tpu.vector_load %arg6[%get3A_345] {strides = array<i32>} : memref<512xi32, #tpu.memory_space<vmem>>, vector<16xi32>,
    %get3A_347 = vector.shape_cast %get3A_346 : vector<16xi32> to vector<16xi32>
    %mul3A_348 = arith.constant 3 : i32
    %mul3A_349 = vector.broadcast %mul3A_348 : i32 to vector<16xi32>
    %mul3A_350 = arith.muli %get3A_347, %mul3A_349 : vector<16xi32>
    %get3A_351 = arith.constant 336 : index
    %get3A_352 = tpu.vector_load %arg7[%get3A_351] {strides = array<i32>} : memref<512xi32, #tpu.memory_space<vmem>>, vector<16xi32>,
    %get3A_353 = vector.shape_cast %get3A_352 : vector<16xi32> to vector<16xi32>
    %add3A_354 = arith.addi %mul3A_350, %get3A_353 : vector<16xi32>
    %swap3A_355 = arith.constant 5 : i32
    %swap3A_356 = arith.index_cast %swap3A_355 : i32 to index
    %swap3A_357 = arith.constant 16 : index
    %swap3A_358 = tpu.vector_load %arg8[%swap3A_356, %swap3A_357] {strides = array<i32>} : memref<8x64xi32, #tpu.memory_space<vmem>>, vector<1x16xi32>,
    %swap3A_359 = vector.shape_cast %swap3A_358 : vector<1x16xi32> to vector<16xi32>
    %swap3A_360 = vector.shape_cast %add3A_354 : vector<16xi32> to vector<1x16xi32>
    tpu.vector_store %arg8[%swap3A_356, %swap3A_357], %swap3A_360 {strides = array<i32>} : memref<8x64xi32, #tpu.memory_space<vmem>>, vector<1x16xi32>,
    %get3A_361 = arith.constant 352 : index
    %get3A_362 = tpu.vector_load %arg6[%get3A_361] {strides = array<i32>} : memref<512xi32, #tpu.memory_space<vmem>>, vector<16xi32>,
    %get3A_363 = vector.shape_cast %get3A_362 : vector<16xi32> to vector<16xi32>
    %mul3A_364 = arith.constant 3 : i32
    %mul3A_365 = vector.broadcast %mul3A_364 : i32 to vector<16xi32>
    %mul3A_366 = arith.muli %get3A_363, %mul3A_365 : vector<16xi32>
    %get3A_367 = arith.constant 352 : index
    %get3A_368 = tpu.vector_load %arg7[%get3A_367] {strides = array<i32>} : memref<512xi32, #tpu.memory_space<vmem>>, vector<16xi32>,
    %get3A_369 = vector.shape_cast %get3A_368 : vector<16xi32> to vector<16xi32>
    %add3A_370 = arith.addi %mul3A_366, %get3A_369 : vector<16xi32>
    %swap3A_371 = arith.constant 5 : i32
    %swap3A_372 = arith.index_cast %swap3A_371 : i32 to index
    %swap3A_373 = arith.constant 32 : index
    %swap3A_374 = tpu.vector_load %arg8[%swap3A_372, %swap3A_373] {strides = array<i32>} : memref<8x64xi32, #tpu.memory_space<vmem>>, vector<1x16xi32>,
    %swap3A_375 = vector.shape_cast %swap3A_374 : vector<1x16xi32> to vector<16xi32>
    %swap3A_376 = vector.shape_cast %add3A_370 : vector<16xi32> to vector<1x16xi32>
    tpu.vector_store %arg8[%swap3A_372, %swap3A_373], %swap3A_376 {strides = array<i32>} : memref<8x64xi32, #tpu.memory_space<vmem>>, vector<1x16xi32>,
    %get3A_377 = arith.constant 368 : index
    %get3A_378 = tpu.vector_load %arg6[%get3A_377] {strides = array<i32>} : memref<512xi32, #tpu.memory_space<vmem>>, vector<16xi32>,
    %get3A_379 = vector.shape_cast %get3A_378 : vector<16xi32> to vector<16xi32>
    %mul3A_380 = arith.constant 3 : i32
    %mul3A_381 = vector.broadcast %mul3A_380 : i32 to vector<16xi32>
    %mul3A_382 = arith.muli %get3A_379, %mul3A_381 : vector<16xi32>
    %get3A_383 = arith.constant 368 : index
    %get3A_384 = tpu.vector_load %arg7[%get3A_383] {strides = array<i32>} : memref<512xi32, #tpu.memory_space<vmem>>, vector<16xi32>,
    %get3A_385 = vector.shape_cast %get3A_384 : vector<16xi32> to vector<16xi32>
    %add3A_386 = arith.addi %mul3A_382, %get3A_385 : vector<16xi32>
    %swap3A_387 = arith.constant 5 : i32
    %swap3A_388 = arith.index_cast %swap3A_387 : i32 to index
    %swap3A_389 = arith.constant 48 : index
    %swap3A_390 = tpu.vector_load %arg8[%swap3A_388, %swap3A_389] {strides = array<i32>} : memref<8x64xi32, #tpu.memory_space<vmem>>, vector<1x16xi32>,
    %swap3A_391 = vector.shape_cast %swap3A_390 : vector<1x16xi32> to vector<16xi32>
    %swap3A_392 = vector.shape_cast %add3A_386 : vector<16xi32> to vector<1x16xi32>
    tpu.vector_store %arg8[%swap3A_388, %swap3A_389], %swap3A_392 {strides = array<i32>} : memref<8x64xi32, #tpu.memory_space<vmem>>, vector<1x16xi32>,
    %get3A_393 = arith.constant 384 : index
    %get3A_394 = tpu.vector_load %arg6[%get3A_393] {strides = array<i32>} : memref<512xi32, #tpu.memory_space<vmem>>, vector<16xi32>,
    %get3A_395 = vector.shape_cast %get3A_394 : vector<16xi32> to vector<16xi32>
    %mul3A_396 = arith.constant 3 : i32
    %mul3A_397 = vector.broadcast %mul3A_396 : i32 to vector<16xi32>
    %mul3A_398 = arith.muli %get3A_395, %mul3A_397 : vector<16xi32>
    %get3A_399 = arith.constant 384 : index
    %get3A_400 = tpu.vector_load %arg7[%get3A_399] {strides = array<i32>} : memref<512xi32, #tpu.memory_space<vmem>>, vector<16xi32>,
    %get3A_401 = vector.shape_cast %get3A_400 : vector<16xi32> to vector<16xi32>
    %add3A_402 = arith.addi %mul3A_398, %get3A_401 : vector<16xi32>
    %swap3A_403 = arith.constant 6 : i32
    %swap3A_404 = arith.index_cast %swap3A_403 : i32 to index
    %swap3A_405 = arith.constant 0 : index
    %swap3A_406 = tpu.vector_load %arg8[%swap3A_404, %swap3A_405] {strides = array<i32>} : memref<8x64xi32, #tpu.memory_space<vmem>>, vector<1x16xi32>,
    %swap3A_407 = vector.shape_cast %swap3A_406 : vector<1x16xi32> to vector<16xi32>
    %swap3A_408 = vector.shape_cast %add3A_402 : vector<16xi32> to vector<1x16xi32>
    tpu.vector_store %arg8[%swap3A_404, %swap3A_405], %swap3A_408 {strides = array<i32>} : memref<8x64xi32, #tpu.memory_space<vmem>>, vector<1x16xi32>,
    %get3A_409 = arith.constant 400 : index
    %get3A_410 = tpu.vector_load %arg6[%get3A_409] {strides = array<i32>} : memref<512xi32, #tpu.memory_space<vmem>>, vector<16xi32>,
    %get3A_411 = vector.shape_cast %get3A_410 : vector<16xi32> to vector<16xi32>
    %mul3A_412 = arith.constant 3 : i32
    %mul3A_413 = vector.broadcast %mul3A_412 : i32 to vector<16xi32>
    %mul3A_414 = arith.muli %get3A_411, %mul3A_413 : vector<16xi32>
    %get3A_415 = arith.constant 400 : index
    %get3A_416 = tpu.vector_load %arg7[%get3A_415] {strides = array<i32>} : memref<512xi32, #tpu.memory_space<vmem>>, vector<16xi32>,
    %get3A_417 = vector.shape_cast %get3A_416 : vector<16xi32> to vector<16xi32>
    %add3A_418 = arith.addi %mul3A_414, %get3A_417 : vector<16xi32>
    %swap3A_419 = arith.constant 6 : i32
    %swap3A_420 = arith.index_cast %swap3A_419 : i32 to index
    %swap3A_421 = arith.constant 16 : index
    %swap3A_422 = tpu.vector_load %arg8[%swap3A_420, %swap3A_421] {strides = array<i32>} : memref<8x64xi32, #tpu.memory_space<vmem>>, vector<1x16xi32>,
    %swap3A_423 = vector.shape_cast %swap3A_422 : vector<1x16xi32> to vector<16xi32>
    %swap3A_424 = vector.shape_cast %add3A_418 : vector<16xi32> to vector<1x16xi32>
    tpu.vector_store %arg8[%swap3A_420, %swap3A_421], %swap3A_424 {strides = array<i32>} : memref<8x64xi32, #tpu.memory_space<vmem>>, vector<1x16xi32>,
    %get3A_425 = arith.constant 416 : index
    %get3A_426 = tpu.vector_load %arg6[%get3A_425] {strides = array<i32>} : memref<512xi32, #tpu.memory_space<vmem>>, vector<16xi32>,
    %get3A_427 = vector.shape_cast %get3A_426 : vector<16xi32> to vector<16xi32>
    %mul3A_428 = arith.constant 3 : i32
    %mul3A_429 = vector.broadcast %mul3A_428 : i32 to vector<16xi32>
    %mul3A_430 = arith.muli %get3A_427, %mul3A_429 : vector<16xi32>
    %get3A_431 = arith.constant 416 : index
    %get3A_432 = tpu.vector_load %arg7[%get3A_431] {strides = array<i32>} : memref<512xi32, #tpu.memory_space<vmem>>, vector<16xi32>,
    %get3A_433 = vector.shape_cast %get3A_432 : vector<16xi32> to vector<16xi32>
    %add3A_434 = arith.addi %mul3A_430, %get3A_433 : vector<16xi32>
    %swap3A_435 = arith.constant 6 : i32
    %swap3A_436 = arith.index_cast %swap3A_435 : i32 to index
    %swap3A_437 = arith.constant 32 : index
    %swap3A_438 = tpu.vector_load %arg8[%swap3A_436, %swap3A_437] {strides = array<i32>} : memref<8x64xi32, #tpu.memory_space<vmem>>, vector<1x16xi32>,
    %swap3A_439 = vector.shape_cast %swap3A_438 : vector<1x16xi32> to vector<16xi32>
    %swap3A_440 = vector.shape_cast %add3A_434 : vector<16xi32> to vector<1x16xi32>
    tpu.vector_store %arg8[%swap3A_436, %swap3A_437], %swap3A_440 {strides = array<i32>} : memref<8x64xi32, #tpu.memory_space<vmem>>, vector<1x16xi32>,
    %get3A_441 = arith.constant 432 : index
    %get3A_442 = tpu.vector_load %arg6[%get3A_441] {strides = array<i32>} : memref<512xi32, #tpu.memory_space<vmem>>, vector<16xi32>,
    %get3A_443 = vector.shape_cast %get3A_442 : vector<16xi32> to vector<16xi32>
    %mul3A_444 = arith.constant 3 : i32
    %mul3A_445 = vector.broadcast %mul3A_444 : i32 to vector<16xi32>
    %mul3A_446 = arith.muli %get3A_443, %mul3A_445 : vector<16xi32>
    %get3A_447 = arith.constant 432 : index
    %get3A_448 = tpu.vector_load %arg7[%get3A_447] {strides = array<i32>} : memref<512xi32, #tpu.memory_space<vmem>>, vector<16xi32>,
    %get3A_449 = vector.shape_cast %get3A_448 : vector<16xi32> to vector<16xi32>
    %add3A_450 = arith.addi %mul3A_446, %get3A_449 : vector<16xi32>
    %swap3A_451 = arith.constant 6 : i32
    %swap3A_452 = arith.index_cast %swap3A_451 : i32 to index
    %swap3A_453 = arith.constant 48 : index
    %swap3A_454 = tpu.vector_load %arg8[%swap3A_452, %swap3A_453] {strides = array<i32>} : memref<8x64xi32, #tpu.memory_space<vmem>>, vector<1x16xi32>,
    %swap3A_455 = vector.shape_cast %swap3A_454 : vector<1x16xi32> to vector<16xi32>
    %swap3A_456 = vector.shape_cast %add3A_450 : vector<16xi32> to vector<1x16xi32>
    tpu.vector_store %arg8[%swap3A_452, %swap3A_453], %swap3A_456 {strides = array<i32>} : memref<8x64xi32, #tpu.memory_space<vmem>>, vector<1x16xi32>,
    %get3A_457 = arith.constant 448 : index
    %get3A_458 = tpu.vector_load %arg6[%get3A_457] {strides = array<i32>} : memref<512xi32, #tpu.memory_space<vmem>>, vector<16xi32>,
    %get3A_459 = vector.shape_cast %get3A_458 : vector<16xi32> to vector<16xi32>
    %mul3A_460 = arith.constant 3 : i32
    %mul3A_461 = vector.broadcast %mul3A_460 : i32 to vector<16xi32>
    %mul3A_462 = arith.muli %get3A_459, %mul3A_461 : vector<16xi32>
    %get3A_463 = arith.constant 448 : index
    %get3A_464 = tpu.vector_load %arg7[%get3A_463] {strides = array<i32>} : memref<512xi32, #tpu.memory_space<vmem>>, vector<16xi32>,
    %get3A_465 = vector.shape_cast %get3A_464 : vector<16xi32> to vector<16xi32>
    %add3A_466 = arith.addi %mul3A_462, %get3A_465 : vector<16xi32>
    %swap3A_467 = arith.constant 7 : i32
    %swap3A_468 = arith.index_cast %swap3A_467 : i32 to index
    %swap3A_469 = arith.constant 0 : index
    %swap3A_470 = tpu.vector_load %arg8[%swap3A_468, %swap3A_469] {strides = array<i32>} : memref<8x64xi32, #tpu.memory_space<vmem>>, vector<1x16xi32>,
    %swap3A_471 = vector.shape_cast %swap3A_470 : vector<1x16xi32> to vector<16xi32>
    %swap3A_472 = vector.shape_cast %add3A_466 : vector<16xi32> to vector<1x16xi32>
    tpu.vector_store %arg8[%swap3A_468, %swap3A_469], %swap3A_472 {strides = array<i32>} : memref<8x64xi32, #tpu.memory_space<vmem>>, vector<1x16xi32>,
    %get3A_473 = arith.constant 464 : index
    %get3A_474 = tpu.vector_load %arg6[%get3A_473] {strides = array<i32>} : memref<512xi32, #tpu.memory_space<vmem>>, vector<16xi32>,
    %get3A_475 = vector.shape_cast %get3A_474 : vector<16xi32> to vector<16xi32>
    %mul3A_476 = arith.constant 3 : i32
    %mul3A_477 = vector.broadcast %mul3A_476 : i32 to vector<16xi32>
    %mul3A_478 = arith.muli %get3A_475, %mul3A_477 : vector<16xi32>
    %get3A_479 = arith.constant 464 : index
    %get3A_480 = tpu.vector_load %arg7[%get3A_479] {strides = array<i32>} : memref<512xi32, #tpu.memory_space<vmem>>, vector<16xi32>,
    %get3A_481 = vector.shape_cast %get3A_480 : vector<16xi32> to vector<16xi32>
    %add3A_482 = arith.addi %mul3A_478, %get3A_481 : vector<16xi32>
    %swap3A_483 = arith.constant 7 : i32
    %swap3A_484 = arith.index_cast %swap3A_483 : i32 to index
    %swap3A_485 = arith.constant 16 : index
    %swap3A_486 = tpu.vector_load %arg8[%swap3A_484, %swap3A_485] {strides = array<i32>} : memref<8x64xi32, #tpu.memory_space<vmem>>, vector<1x16xi32>,
    %swap3A_487 = vector.shape_cast %swap3A_486 : vector<1x16xi32> to vector<16xi32>
    %swap3A_488 = vector.shape_cast %add3A_482 : vector<16xi32> to vector<1x16xi32>
    tpu.vector_store %arg8[%swap3A_484, %swap3A_485], %swap3A_488 {strides = array<i32>} : memref<8x64xi32, #tpu.memory_space<vmem>>, vector<1x16xi32>,
    %get3A_489 = arith.constant 480 : index
    %get3A_490 = tpu.vector_load %arg6[%get3A_489] {strides = array<i32>} : memref<512xi32, #tpu.memory_space<vmem>>, vector<16xi32>,
    %get3A_491 = vector.shape_cast %get3A_490 : vector<16xi32> to vector<16xi32>
    %mul3A_492 = arith.constant 3 : i32
    %mul3A_493 = vector.broadcast %mul3A_492 : i32 to vector<16xi32>
    %mul3A_494 = arith.muli %get3A_491, %mul3A_493 : vector<16xi32>
    %get3A_495 = arith.constant 480 : index
    %get3A_496 = tpu.vector_load %arg7[%get3A_495] {strides = array<i32>} : memref<512xi32, #tpu.memory_space<vmem>>, vector<16xi32>,
    %get3A_497 = vector.shape_cast %get3A_496 : vector<16xi32> to vector<16xi32>
    %add3A_498 = arith.addi %mul3A_494, %get3A_497 : vector<16xi32>
    %swap3A_499 = arith.constant 7 : i32
    %swap3A_500 = arith.index_cast %swap3A_499 : i32 to index
    %swap3A_501 = arith.constant 32 : index
    %swap3A_502 = tpu.vector_load %arg8[%swap3A_500, %swap3A_501] {strides = array<i32>} : memref<8x64xi32, #tpu.memory_space<vmem>>, vector<1x16xi32>,
    %swap3A_503 = vector.shape_cast %swap3A_502 : vector<1x16xi32> to vector<16xi32>
    %swap3A_504 = vector.shape_cast %add3A_498 : vector<16xi32> to vector<1x16xi32>
    tpu.vector_store %arg8[%swap3A_500, %swap3A_501], %swap3A_504 {strides = array<i32>} : memref<8x64xi32, #tpu.memory_space<vmem>>, vector<1x16xi32>,
    %get3A_505 = arith.constant 496 : index
    %get3A_506 = tpu.vector_load %arg6[%get3A_505] {strides = array<i32>} : memref<512xi32, #tpu.memory_space<vmem>>, vector<16xi32>,
    %get3A_507 = vector.shape_cast %get3A_506 : vector<16xi32> to vector<16xi32>
    %mul3A_508 = arith.constant 3 : i32
    %mul3A_509 = vector.broadcast %mul3A_508 : i32 to vector<16xi32>
    %mul3A_510 = arith.muli %get3A_507, %mul3A_509 : vector<16xi32>
    %get3A_511 = arith.constant 496 : index
    %get3A_512 = tpu.vector_load %arg7[%get3A_511] {strides = array<i32>} : memref<512xi32, #tpu.memory_space<vmem>>, vector<16xi32>,
    %get3A_513 = vector.shape_cast %get3A_512 : vector<16xi32> to vector<16xi32>
    %add3A_514 = arith.addi %mul3A_510, %get3A_513 : vector<16xi32>
    %swap3A_515 = arith.constant 7 : i32
    %swap3A_516 = arith.index_cast %swap3A_515 : i32 to index
    %swap3A_517 = arith.constant 48 : index
    %swap3A_518 = tpu.vector_load %arg8[%swap3A_516, %swap3A_517] {strides = array<i32>} : memref<8x64xi32, #tpu.memory_space<vmem>>, vector<1x16xi32>,
    %swap3A_519 = vector.shape_cast %swap3A_518 : vector<1x16xi32> to vector<16xi32>
    %swap3A_520 = vector.shape_cast %add3A_514 : vector<16xi32> to vector<1x16xi32>
    tpu.vector_store %arg8[%swap3A_516, %swap3A_517], %swap3A_520 {strides = array<i32>} : memref<8x64xi32, #tpu.memory_space<vmem>>, vector<1x16xi32>,
    %barrier3A = arith.constant 0 : index
    tpu.barrier barrier_id(%barrier3A)
    %dma_start3A_521 = arith.constant 0 : i32
    %dma_start3A_522 = arith.constant 0 : i32
    %dma_start3A_523 = arith.constant 0 : i32
    %dma_start3A_524 = arith.constant 0 : i32
    %dma_start3A_525 = tpu.memref_slice %arg9[%dma_start3A_523, %dma_start3A_524] : memref<512x128xf32, #tpu.memory_space<vmem>> -> memref<64x128xf32, #tpu.memory_space<vmem>>
    %dma_start3A_526 = arith.constant 0 : i32
    %dma_start3A_527 = tpu.memref_slice %arg8[%dma_start3A_521, %dma_start3A_526] : memref<8x64xi32, #tpu.memory_space<vmem>> -> memref<1x64xi32, #tpu.memory_space<vmem>>
    %dma_start3A_528 = tpu.memref_squeeze %dma_start3A_527 : memref<1x64xi32, #tpu.memory_space<vmem>> -> memref<64xi32, #tpu.memory_space<vmem>>
    %dma_start3A_529 = arith.constant 0 : i32
    %dma_start3A_530 = arith.constant 0 : i32
    %dma_start3A_531 = tpu.memref_slice %arg10[%dma_start3A_529, %dma_start3A_530] : memref<16x128xf32, #tpu.memory_space<vmem_shared>> -> memref<16x128xf32, #tpu.memory_space<vmem_shared>>
    %dma_start3A_532 = tpu.memref_slice %arg11[%dma_start3A_522] : memref<8x!tpu.dma_semaphore, #tpu.memory_space<semaphore_mem>> -> memref<1x!tpu.dma_semaphore, #tpu.memory_space<semaphore_mem>>
    %dma_start3A_533 = tpu.memref_squeeze %dma_start3A_532 : memref<1x!tpu.dma_semaphore, #tpu.memory_space<semaphore_mem>> -> memref<!tpu.dma_semaphore, #tpu.memory_space<semaphore_mem>>
    tpu.enqueue_indirect_dma source(%dma_start3A_531 : memref<16x128xf32, #tpu.memory_space<vmem_shared>>) target(%dma_start3A_525 : memref<64x128xf32, #tpu.memory_space<vmem>>) offsets(%dma_start3A_528 : memref<64xi32, #tpu.memory_space<vmem>>) semaphore(%dma_start3A_533 : memref<!tpu.dma_semaphore, #tpu.memory_space<semaphore_mem>>)
    %dma_start3A_534 = arith.constant 1 : i32
    %dma_start3A_535 = arith.constant 1 : i32
    %dma_start3A_536 = arith.constant 64 : i32
    %dma_start3A_537 = arith.constant 0 : i32
    %dma_start3A_538 = tpu.memref_slice %arg9[%dma_start3A_536, %dma_start3A_537] : memref<512x128xf32, #tpu.memory_space<vmem>> -> memref<64x128xf32, #tpu.memory_space<vmem>>
    %dma_start3A_539 = arith.constant 0 : i32
    %dma_start3A_540 = tpu.memref_slice %arg8[%dma_start3A_534, %dma_start3A_539] : memref<8x64xi32, #tpu.memory_space<vmem>> -> memref<1x64xi32, #tpu.memory_space<vmem>>
    %dma_start3A_541 = tpu.memref_squeeze %dma_start3A_540 : memref<1x64xi32, #tpu.memory_space<vmem>> -> memref<64xi32, #tpu.memory_space<vmem>>
    %dma_start3A_542 = arith.constant 0 : i32
    %dma_start3A_543 = arith.constant 0 : i32
    %dma_start3A_544 = tpu.memref_slice %arg10[%dma_start3A_542, %dma_start3A_543] : memref<16x128xf32, #tpu.memory_space<vmem_shared>> -> memref<16x128xf32, #tpu.memory_space<vmem_shared>>
    %dma_start3A_545 = tpu.memref_slice %arg11[%dma_start3A_535] : memref<8x!tpu.dma_semaphore, #tpu.memory_space<semaphore_mem>> -> memref<1x!tpu.dma_semaphore, #tpu.memory_space<semaphore_mem>>
    %dma_start3A_546 = tpu.memref_squeeze %dma_start3A_545 : memref<1x!tpu.dma_semaphore, #tpu.memory_space<semaphore_mem>> -> memref<!tpu.dma_semaphore, #tpu.memory_space<semaphore_mem>>
    tpu.enqueue_indirect_dma source(%dma_start3A_544 : memref<16x128xf32, #tpu.memory_space<vmem_shared>>) target(%dma_start3A_538 : memref<64x128xf32, #tpu.memory_space<vmem>>) offsets(%dma_start3A_541 : memref<64xi32, #tpu.memory_space<vmem>>) semaphore(%dma_start3A_546 : memref<!tpu.dma_semaphore, #tpu.memory_space<semaphore_mem>>)
    %dma_start3A_547 = arith.constant 2 : i32
    %dma_start3A_548 = arith.constant 2 : i32
    %dma_start3A_549 = arith.constant 128 : i32
    %dma_start3A_550 = arith.constant 0 : i32
    %dma_start3A_551 = tpu.memref_slice %arg9[%dma_start3A_549, %dma_start3A_550] : memref<512x128xf32, #tpu.memory_space<vmem>> -> memref<64x128xf32, #tpu.memory_space<vmem>>
    %dma_start3A_552 = arith.constant 0 : i32
    %dma_start3A_553 = tpu.memref_slice %arg8[%dma_start3A_547, %dma_start3A_552] : memref<8x64xi32, #tpu.memory_space<vmem>> -> memref<1x64xi32, #tpu.memory_space<vmem>>
    %dma_start3A_554 = tpu.memref_squeeze %dma_start3A_553 : memref<1x64xi32, #tpu.memory_space<vmem>> -> memref<64xi32, #tpu.memory_space<vmem>>
    %dma_start3A_555 = arith.constant 0 : i32
    %dma_start3A_556 = arith.constant 0 : i32
    %dma_start3A_557 = tpu.memref_slice %arg10[%dma_start3A_555, %dma_start3A_556] : memref<16x128xf32, #tpu.memory_space<vmem_shared>> -> memref<16x128xf32, #tpu.memory_space<vmem_shared>>
    %dma_start3A_558 = tpu.memref_slice %arg11[%dma_start3A_548] : memref<8x!tpu.dma_semaphore, #tpu.memory_space<semaphore_mem>> -> memref<1x!tpu.dma_semaphore, #tpu.memory_space<semaphore_mem>>
    %dma_start3A_559 = tpu.memref_squeeze %dma_start3A_558 : memref<1x!tpu.dma_semaphore, #tpu.memory_space<semaphore_mem>> -> memref<!tpu.dma_semaphore, #tpu.memory_space<semaphore_mem>>
    tpu.enqueue_indirect_dma source(%dma_start3A_557 : memref<16x128xf32, #tpu.memory_space<vmem_shared>>) target(%dma_start3A_551 : memref<64x128xf32, #tpu.memory_space<vmem>>) offsets(%dma_start3A_554 : memref<64xi32, #tpu.memory_space<vmem>>) semaphore(%dma_start3A_559 : memref<!tpu.dma_semaphore, #tpu.memory_space<semaphore_mem>>)
    %dma_start3A_560 = arith.constant 3 : i32
    %dma_start3A_561 = arith.constant 3 : i32
    %dma_start3A_562 = arith.constant 192 : i32
    %dma_start3A_563 = arith.constant 0 : i32
    %dma_start3A_564 = tpu.memref_slice %arg9[%dma_start3A_562, %dma_start3A_563] : memref<512x128xf32, #tpu.memory_space<vmem>> -> memref<64x128xf32, #tpu.memory_space<vmem>>
    %dma_start3A_565 = arith.constant 0 : i32
    %dma_start3A_566 = tpu.memref_slice %arg8[%dma_start3A_560, %dma_start3A_565] : memref<8x64xi32, #tpu.memory_space<vmem>> -> memref<1x64xi32, #tpu.memory_space<vmem>>
    %dma_start3A_567 = tpu.memref_squeeze %dma_start3A_566 : memref<1x64xi32, #tpu.memory_space<vmem>> -> memref<64xi32, #tpu.memory_space<vmem>>
    %dma_start3A_568 = arith.constant 0 : i32
    %dma_start3A_569 = arith.constant 0 : i32
    %dma_start3A_570 = tpu.memref_slice %arg10[%dma_start3A_568, %dma_start3A_569] : memref<16x128xf32, #tpu.memory_space<vmem_shared>> -> memref<16x128xf32, #tpu.memory_space<vmem_shared>>
    %dma_start3A_571 = tpu.memref_slice %arg11[%dma_start3A_561] : memref<8x!tpu.dma_semaphore, #tpu.memory_space<semaphore_mem>> -> memref<1x!tpu.dma_semaphore, #tpu.memory_space<semaphore_mem>>
    %dma_start3A_572 = tpu.memref_squeeze %dma_start3A_571 : memref<1x!tpu.dma_semaphore, #tpu.memory_space<semaphore_mem>> -> memref<!tpu.dma_semaphore, #tpu.memory_space<semaphore_mem>>
    tpu.enqueue_indirect_dma source(%dma_start3A_570 : memref<16x128xf32, #tpu.memory_space<vmem_shared>>) target(%dma_start3A_564 : memref<64x128xf32, #tpu.memory_space<vmem>>) offsets(%dma_start3A_567 : memref<64xi32, #tpu.memory_space<vmem>>) semaphore(%dma_start3A_572 : memref<!tpu.dma_semaphore, #tpu.memory_space<semaphore_mem>>)
    %dma_start3A_573 = arith.constant 4 : i32
    %dma_start3A_574 = arith.constant 4 : i32
    %dma_start3A_575 = arith.constant 256 : i32
    %dma_start3A_576 = arith.constant 0 : i32
    %dma_start3A_577 = tpu.memref_slice %arg9[%dma_start3A_575, %dma_start3A_576] : memref<512x128xf32, #tpu.memory_space<vmem>> -> memref<64x128xf32, #tpu.memory_space<vmem>>
    %dma_start3A_578 = arith.constant 0 : i32
    %dma_start3A_579 = tpu.memref_slice %arg8[%dma_start3A_573, %dma_start3A_578] : memref<8x64xi32, #tpu.memory_space<vmem>> -> memref<1x64xi32, #tpu.memory_space<vmem>>
    %dma_start3A_580 = tpu.memref_squeeze %dma_start3A_579 : memref<1x64xi32, #tpu.memory_space<vmem>> -> memref<64xi32, #tpu.memory_space<vmem>>
    %dma_start3A_581 = arith.constant 0 : i32
    %dma_start3A_582 = arith.constant 0 : i32
    %dma_start3A_583 = tpu.memref_slice %arg10[%dma_start3A_581, %dma_start3A_582] : memref<16x128xf32, #tpu.memory_space<vmem_shared>> -> memref<16x128xf32, #tpu.memory_space<vmem_shared>>
    %dma_start3A_584 = tpu.memref_slice %arg11[%dma_start3A_574] : memref<8x!tpu.dma_semaphore, #tpu.memory_space<semaphore_mem>> -> memref<1x!tpu.dma_semaphore, #tpu.memory_space<semaphore_mem>>
    %dma_start3A_585 = tpu.memref_squeeze %dma_start3A_584 : memref<1x!tpu.dma_semaphore, #tpu.memory_space<semaphore_mem>> -> memref<!tpu.dma_semaphore, #tpu.memory_space<semaphore_mem>>
    tpu.enqueue_indirect_dma source(%dma_start3A_583 : memref<16x128xf32, #tpu.memory_space<vmem_shared>>) target(%dma_start3A_577 : memref<64x128xf32, #tpu.memory_space<vmem>>) offsets(%dma_start3A_580 : memref<64xi32, #tpu.memory_space<vmem>>) semaphore(%dma_start3A_585 : memref<!tpu.dma_semaphore, #tpu.memory_space<semaphore_mem>>)
    %dma_start3A_586 = arith.constant 5 : i32
    %dma_start3A_587 = arith.constant 5 : i32
    %dma_start3A_588 = arith.constant 320 : i32
    %dma_start3A_589 = arith.constant 0 : i32
    %dma_start3A_590 = tpu.memref_slice %arg9[%dma_start3A_588, %dma_start3A_589] : memref<512x128xf32, #tpu.memory_space<vmem>> -> memref<64x128xf32, #tpu.memory_space<vmem>>
    %dma_start3A_591 = arith.constant 0 : i32
    %dma_start3A_592 = tpu.memref_slice %arg8[%dma_start3A_586, %dma_start3A_591] : memref<8x64xi32, #tpu.memory_space<vmem>> -> memref<1x64xi32, #tpu.memory_space<vmem>>
    %dma_start3A_593 = tpu.memref_squeeze %dma_start3A_592 : memref<1x64xi32, #tpu.memory_space<vmem>> -> memref<64xi32, #tpu.memory_space<vmem>>
    %dma_start3A_594 = arith.constant 0 : i32
    %dma_start3A_595 = arith.constant 0 : i32
    %dma_start3A_596 = tpu.memref_slice %arg10[%dma_start3A_594, %dma_start3A_595] : memref<16x128xf32, #tpu.memory_space<vmem_shared>> -> memref<16x128xf32, #tpu.memory_space<vmem_shared>>
    %dma_start3A_597 = tpu.memref_slice %arg11[%dma_start3A_587] : memref<8x!tpu.dma_semaphore, #tpu.memory_space<semaphore_mem>> -> memref<1x!tpu.dma_semaphore, #tpu.memory_space<semaphore_mem>>
    %dma_start3A_598 = tpu.memref_squeeze %dma_start3A_597 : memref<1x!tpu.dma_semaphore, #tpu.memory_space<semaphore_mem>> -> memref<!tpu.dma_semaphore, #tpu.memory_space<semaphore_mem>>
    tpu.enqueue_indirect_dma source(%dma_start3A_596 : memref<16x128xf32, #tpu.memory_space<vmem_shared>>) target(%dma_start3A_590 : memref<64x128xf32, #tpu.memory_space<vmem>>) offsets(%dma_start3A_593 : memref<64xi32, #tpu.memory_space<vmem>>) semaphore(%dma_start3A_598 : memref<!tpu.dma_semaphore, #tpu.memory_space<semaphore_mem>>)
    %dma_start3A_599 = arith.constant 6 : i32
    %dma_start3A_600 = arith.constant 6 : i32
    %dma_start3A_601 = arith.constant 384 : i32
    %dma_start3A_602 = arith.constant 0 : i32
    %dma_start3A_603 = tpu.memref_slice %arg9[%dma_start3A_601, %dma_start3A_602] : memref<512x128xf32, #tpu.memory_space<vmem>> -> memref<64x128xf32, #tpu.memory_space<vmem>>
    %dma_start3A_604 = arith.constant 0 : i32
    %dma_start3A_605 = tpu.memref_slice %arg8[%dma_start3A_599, %dma_start3A_604] : memref<8x64xi32, #tpu.memory_space<vmem>> -> memref<1x64xi32, #tpu.memory_space<vmem>>
    %dma_start3A_606 = tpu.memref_squeeze %dma_start3A_605 : memref<1x64xi32, #tpu.memory_space<vmem>> -> memref<64xi32, #tpu.memory_space<vmem>>
    %dma_start3A_607 = arith.constant 0 : i32
    %dma_start3A_608 = arith.constant 0 : i32
    %dma_start3A_609 = tpu.memref_slice %arg10[%dma_start3A_607, %dma_start3A_608] : memref<16x128xf32, #tpu.memory_space<vmem_shared>> -> memref<16x128xf32, #tpu.memory_space<vmem_shared>>
    %dma_start3A_610 = tpu.memref_slice %arg11[%dma_start3A_600] : memref<8x!tpu.dma_semaphore, #tpu.memory_space<semaphore_mem>> -> memref<1x!tpu.dma_semaphore, #tpu.memory_space<semaphore_mem>>
    %dma_start3A_611 = tpu.memref_squeeze %dma_start3A_610 : memref<1x!tpu.dma_semaphore, #tpu.memory_space<semaphore_mem>> -> memref<!tpu.dma_semaphore, #tpu.memory_space<semaphore_mem>>
    tpu.enqueue_indirect_dma source(%dma_start3A_609 : memref<16x128xf32, #tpu.memory_space<vmem_shared>>) target(%dma_start3A_603 : memref<64x128xf32, #tpu.memory_space<vmem>>) offsets(%dma_start3A_606 : memref<64xi32, #tpu.memory_space<vmem>>) semaphore(%dma_start3A_611 : memref<!tpu.dma_semaphore, #tpu.memory_space<semaphore_mem>>)
    %dma_start3A_612 = arith.constant 7 : i32
    %dma_start3A_613 = arith.constant 7 : i32
    %dma_start3A_614 = arith.constant 448 : i32
    %dma_start3A_615 = arith.constant 0 : i32
    %dma_start3A_616 = tpu.memref_slice %arg9[%dma_start3A_614, %dma_start3A_615] : memref<512x128xf32, #tpu.memory_space<vmem>> -> memref<64x128xf32, #tpu.memory_space<vmem>>
    %dma_start3A_617 = arith.constant 0 : i32
    %dma_start3A_618 = tpu.memref_slice %arg8[%dma_start3A_612, %dma_start3A_617] : memref<8x64xi32, #tpu.memory_space<vmem>> -> memref<1x64xi32, #tpu.memory_space<vmem>>
    %dma_start3A_619 = tpu.memref_squeeze %dma_start3A_618 : memref<1x64xi32, #tpu.memory_space<vmem>> -> memref<64xi32, #tpu.memory_space<vmem>>
    %dma_start3A_620 = arith.constant 0 : i32
    %dma_start3A_621 = arith.constant 0 : i32
    %dma_start3A_622 = tpu.memref_slice %arg10[%dma_start3A_620, %dma_start3A_621] : memref<16x128xf32, #tpu.memory_space<vmem_shared>> -> memref<16x128xf32, #tpu.memory_space<vmem_shared>>
    %dma_start3A_623 = tpu.memref_slice %arg11[%dma_start3A_613] : memref<8x!tpu.dma_semaphore, #tpu.memory_space<semaphore_mem>> -> memref<1x!tpu.dma_semaphore, #tpu.memory_space<semaphore_mem>>
    %dma_start3A_624 = tpu.memref_squeeze %dma_start3A_623 : memref<1x!tpu.dma_semaphore, #tpu.memory_space<semaphore_mem>> -> memref<!tpu.dma_semaphore, #tpu.memory_space<semaphore_mem>>
    tpu.enqueue_indirect_dma source(%dma_start3A_622 : memref<16x128xf32, #tpu.memory_space<vmem_shared>>) target(%dma_start3A_616 : memref<64x128xf32, #tpu.memory_space<vmem>>) offsets(%dma_start3A_619 : memref<64xi32, #tpu.memory_space<vmem>>) semaphore(%dma_start3A_624 : memref<!tpu.dma_semaphore, #tpu.memory_space<semaphore_mem>>)
    %dma_wait3A_625 = arith.constant 0 : i32
    %dma_wait3A_626 = arith.constant 0 : i32
    %dma_wait3A_627 = arith.constant 0 : i32
    %dma_wait3A_628 = arith.constant 0 : i32
    %dma_wait3A_629 = tpu.memref_slice %arg9[%dma_wait3A_627, %dma_wait3A_628] : memref<512x128xf32, #tpu.memory_space<vmem>> -> memref<64x128xf32, #tpu.memory_space<vmem>>
    %dma_wait3A_630 = arith.constant 0 : i32
    %dma_wait3A_631 = tpu.memref_slice %arg8[%dma_wait3A_625, %dma_wait3A_630] : memref<8x64xi32, #tpu.memory_space<vmem>> -> memref<1x64xi32, #tpu.memory_space<vmem>>
    %dma_wait3A_632 = tpu.memref_squeeze %dma_wait3A_631 : memref<1x64xi32, #tpu.memory_space<vmem>> -> memref<64xi32, #tpu.memory_space<vmem>>
    %dma_wait3A_633 = arith.constant 0 : i32
    %dma_wait3A_634 = arith.constant 0 : i32
    %dma_wait3A_635 = tpu.memref_slice %arg10[%dma_wait3A_633, %dma_wait3A_634] : memref<16x128xf32, #tpu.memory_space<vmem_shared>> -> memref<16x128xf32, #tpu.memory_space<vmem_shared>>
    %dma_wait3A_636 = tpu.memref_slice %arg11[%dma_wait3A_626] : memref<8x!tpu.dma_semaphore, #tpu.memory_space<semaphore_mem>> -> memref<1x!tpu.dma_semaphore, #tpu.memory_space<semaphore_mem>>
    %dma_wait3A_637 = tpu.memref_squeeze %dma_wait3A_636 : memref<1x!tpu.dma_semaphore, #tpu.memory_space<semaphore_mem>> -> memref<!tpu.dma_semaphore, #tpu.memory_space<semaphore_mem>>
    tpu.wait_indirect_dma semaphore(%dma_wait3A_637 : memref<!tpu.dma_semaphore, #tpu.memory_space<semaphore_mem>>) src(%dma_wait3A_635 : memref<16x128xf32, #tpu.memory_space<vmem_shared>>) dst(%dma_wait3A_629 : memref<64x128xf32, #tpu.memory_space<vmem>>)
    %add3A_638 = arith.constant 0 : i32
    %add3A_639 = arith.addi %mul3A_2, %add3A_638 : i32
    %dma_start3A_640 = arith.constant 0 : i32
    %dma_start3A_641 = arith.constant 0 : i32
    %dma_start3A_642 = tpu.memref_slice %arg9[%dma_start3A_640, %dma_start3A_641] : memref<512x128xf32, #tpu.memory_space<vmem>> -> memref<64x128xf32, #tpu.memory_space<vmem>>
    %dma_start3A_643 = arith.constant 0 : i32
    %dma_start3A_644 = tpu.memref_slice %arg5[%add3A_639, %dma_start3A_643] : memref<16384x128xf32, #tpu.memory_space<hbm>> -> memref<64x128xf32, #tpu.memory_space<hbm>>
    %dma_start3A_645 = arith.constant 0 : i32
    %dma_start3A_646 = tpu.memref_slice %arg5[%add3A_639, %dma_start3A_645] : memref<16384x128xf32, #tpu.memory_space<hbm>> -> memref<64x128xf32, #tpu.memory_space<hbm>>
    %dma_start3A_647 = arith.constant 0 : i32
    %dma_start3A_648 = arith.constant 0 : i32
    %dma_start3A_649 = tpu.memref_slice %arg9[%dma_start3A_647, %dma_start3A_648] : memref<512x128xf32, #tpu.memory_space<vmem>> -> memref<64x128xf32, #tpu.memory_space<vmem>>
    tpu.enqueue_dma source(%dma_start3A_649 : memref<64x128xf32, #tpu.memory_space<vmem>>) target(%dma_start3A_646 : memref<64x128xf32, #tpu.memory_space<hbm>>) target_semaphore(%arg12 : memref<!tpu.dma_semaphore, #tpu.memory_space<semaphore_mem>>)
    %dma_wait3A_650 = arith.constant 1 : i32
    %dma_wait3A_651 = arith.constant 1 : i32
    %dma_wait3A_652 = arith.constant 64 : i32
    %dma_wait3A_653 = arith.constant 0 : i32
    %dma_wait3A_654 = tpu.memref_slice %arg9[%dma_wait3A_652, %dma_wait3A_653] : memref<512x128xf32, #tpu.memory_space<vmem>> -> memref<64x128xf32, #tpu.memory_space<vmem>>
    %dma_wait3A_655 = arith.constant 0 : i32
    %dma_wait3A_656 = tpu.memref_slice %arg8[%dma_wait3A_650, %dma_wait3A_655] : memref<8x64xi32, #tpu.memory_space<vmem>> -> memref<1x64xi32, #tpu.memory_space<vmem>>
    %dma_wait3A_657 = tpu.memref_squeeze %dma_wait3A_656 : memref<1x64xi32, #tpu.memory_space<vmem>> -> memref<64xi32, #tpu.memory_space<vmem>>
    %dma_wait3A_658 = arith.constant 0 : i32
    %dma_wait3A_659 = arith.constant 0 : i32
    %dma_wait3A_660 = tpu.memref_slice %arg10[%dma_wait3A_658, %dma_wait3A_659] : memref<16x128xf32, #tpu.memory_space<vmem_shared>> -> memref<16x128xf32, #tpu.memory_space<vmem_shared>>
    %dma_wait3A_661 = tpu.memref_slice %arg11[%dma_wait3A_651] : memref<8x!tpu.dma_semaphore, #tpu.memory_space<semaphore_mem>> -> memref<1x!tpu.dma_semaphore, #tpu.memory_space<semaphore_mem>>
    %dma_wait3A_662 = tpu.memref_squeeze %dma_wait3A_661 : memref<1x!tpu.dma_semaphore, #tpu.memory_space<semaphore_mem>> -> memref<!tpu.dma_semaphore, #tpu.memory_space<semaphore_mem>>
    tpu.wait_indirect_dma semaphore(%dma_wait3A_662 : memref<!tpu.dma_semaphore, #tpu.memory_space<semaphore_mem>>) src(%dma_wait3A_660 : memref<16x128xf32, #tpu.memory_space<vmem_shared>>) dst(%dma_wait3A_654 : memref<64x128xf32, #tpu.memory_space<vmem>>)
    %add3A_663 = arith.constant 64 : i32
    %add3A_664 = arith.addi %mul3A_2, %add3A_663 : i32
    %dma_start3A_665 = arith.constant 64 : i32
    %dma_start3A_666 = arith.constant 0 : i32
    %dma_start3A_667 = tpu.memref_slice %arg9[%dma_start3A_665, %dma_start3A_666] : memref<512x128xf32, #tpu.memory_space<vmem>> -> memref<64x128xf32, #tpu.memory_space<vmem>>
    %dma_start3A_668 = arith.constant 0 : i32
    %dma_start3A_669 = tpu.memref_slice %arg5[%add3A_664, %dma_start3A_668] : memref<16384x128xf32, #tpu.memory_space<hbm>> -> memref<64x128xf32, #tpu.memory_space<hbm>>
    %dma_start3A_670 = arith.constant 0 : i32
    %dma_start3A_671 = tpu.memref_slice %arg5[%add3A_664, %dma_start3A_670] : memref<16384x128xf32, #tpu.memory_space<hbm>> -> memref<64x128xf32, #tpu.memory_space<hbm>>
    %dma_start3A_672 = arith.constant 64 : i32
    %dma_start3A_673 = arith.constant 0 : i32
    %dma_start3A_674 = tpu.memref_slice %arg9[%dma_start3A_672, %dma_start3A_673] : memref<512x128xf32, #tpu.memory_space<vmem>> -> memref<64x128xf32, #tpu.memory_space<vmem>>
    tpu.enqueue_dma source(%dma_start3A_674 : memref<64x128xf32, #tpu.memory_space<vmem>>) target(%dma_start3A_671 : memref<64x128xf32, #tpu.memory_space<hbm>>) target_semaphore(%arg12 : memref<!tpu.dma_semaphore, #tpu.memory_space<semaphore_mem>>)
    %dma_wait3A_675 = arith.constant 2 : i32
    %dma_wait3A_676 = arith.constant 2 : i32
    %dma_wait3A_677 = arith.constant 128 : i32
    %dma_wait3A_678 = arith.constant 0 : i32
    %dma_wait3A_679 = tpu.memref_slice %arg9[%dma_wait3A_677, %dma_wait3A_678] : memref<512x128xf32, #tpu.memory_space<vmem>> -> memref<64x128xf32, #tpu.memory_space<vmem>>
    %dma_wait3A_680 = arith.constant 0 : i32
    %dma_wait3A_681 = tpu.memref_slice %arg8[%dma_wait3A_675, %dma_wait3A_680] : memref<8x64xi32, #tpu.memory_space<vmem>> -> memref<1x64xi32, #tpu.memory_space<vmem>>
    %dma_wait3A_682 = tpu.memref_squeeze %dma_wait3A_681 : memref<1x64xi32, #tpu.memory_space<vmem>> -> memref<64xi32, #tpu.memory_space<vmem>>
    %dma_wait3A_683 = arith.constant 0 : i32
    %dma_wait3A_684 = arith.constant 0 : i32
    %dma_wait3A_685 = tpu.memref_slice %arg10[%dma_wait3A_683, %dma_wait3A_684] : memref<16x128xf32, #tpu.memory_space<vmem_shared>> -> memref<16x128xf32, #tpu.memory_space<vmem_shared>>
    %dma_wait3A_686 = tpu.memref_slice %arg11[%dma_wait3A_676] : memref<8x!tpu.dma_semaphore, #tpu.memory_space<semaphore_mem>> -> memref<1x!tpu.dma_semaphore, #tpu.memory_space<semaphore_mem>>
    %dma_wait3A_687 = tpu.memref_squeeze %dma_wait3A_686 : memref<1x!tpu.dma_semaphore, #tpu.memory_space<semaphore_mem>> -> memref<!tpu.dma_semaphore, #tpu.memory_space<semaphore_mem>>
    tpu.wait_indirect_dma semaphore(%dma_wait3A_687 : memref<!tpu.dma_semaphore, #tpu.memory_space<semaphore_mem>>) src(%dma_wait3A_685 : memref<16x128xf32, #tpu.memory_space<vmem_shared>>) dst(%dma_wait3A_679 : memref<64x128xf32, #tpu.memory_space<vmem>>)
    %add3A_688 = arith.constant 128 : i32
    %add3A_689 = arith.addi %mul3A_2, %add3A_688 : i32
    %dma_start3A_690 = arith.constant 128 : i32
    %dma_start3A_691 = arith.constant 0 : i32
    %dma_start3A_692 = tpu.memref_slice %arg9[%dma_start3A_690, %dma_start3A_691] : memref<512x128xf32, #tpu.memory_space<vmem>> -> memref<64x128xf32, #tpu.memory_space<vmem>>
    %dma_start3A_693 = arith.constant 0 : i32
    %dma_start3A_694 = tpu.memref_slice %arg5[%add3A_689, %dma_start3A_693] : memref<16384x128xf32, #tpu.memory_space<hbm>> -> memref<64x128xf32, #tpu.memory_space<hbm>>
    %dma_start3A_695 = arith.constant 0 : i32
    %dma_start3A_696 = tpu.memref_slice %arg5[%add3A_689, %dma_start3A_695] : memref<16384x128xf32, #tpu.memory_space<hbm>> -> memref<64x128xf32, #tpu.memory_space<hbm>>
    %dma_start3A_697 = arith.constant 128 : i32
    %dma_start3A_698 = arith.constant 0 : i32
    %dma_start3A_699 = tpu.memref_slice %arg9[%dma_start3A_697, %dma_start3A_698] : memref<512x128xf32, #tpu.memory_space<vmem>> -> memref<64x128xf32, #tpu.memory_space<vmem>>
    tpu.enqueue_dma source(%dma_start3A_699 : memref<64x128xf32, #tpu.memory_space<vmem>>) target(%dma_start3A_696 : memref<64x128xf32, #tpu.memory_space<hbm>>) target_semaphore(%arg12 : memref<!tpu.dma_semaphore, #tpu.memory_space<semaphore_mem>>)
    %dma_wait3A_700 = arith.constant 3 : i32
    %dma_wait3A_701 = arith.constant 3 : i32
    %dma_wait3A_702 = arith.constant 192 : i32
    %dma_wait3A_703 = arith.constant 0 : i32
    %dma_wait3A_704 = tpu.memref_slice %arg9[%dma_wait3A_702, %dma_wait3A_703] : memref<512x128xf32, #tpu.memory_space<vmem>> -> memref<64x128xf32, #tpu.memory_space<vmem>>
    %dma_wait3A_705 = arith.constant 0 : i32
    %dma_wait3A_706 = tpu.memref_slice %arg8[%dma_wait3A_700, %dma_wait3A_705] : memref<8x64xi32, #tpu.memory_space<vmem>> -> memref<1x64xi32, #tpu.memory_space<vmem>>
    %dma_wait3A_707 = tpu.memref_squeeze %dma_wait3A_706 : memref<1x64xi32, #tpu.memory_space<vmem>> -> memref<64xi32, #tpu.memory_space<vmem>>
    %dma_wait3A_708 = arith.constant 0 : i32
    %dma_wait3A_709 = arith.constant 0 : i32
    %dma_wait3A_710 = tpu.memref_slice %arg10[%dma_wait3A_708, %dma_wait3A_709] : memref<16x128xf32, #tpu.memory_space<vmem_shared>> -> memref<16x128xf32, #tpu.memory_space<vmem_shared>>
    %dma_wait3A_711 = tpu.memref_slice %arg11[%dma_wait3A_701] : memref<8x!tpu.dma_semaphore, #tpu.memory_space<semaphore_mem>> -> memref<1x!tpu.dma_semaphore, #tpu.memory_space<semaphore_mem>>
    %dma_wait3A_712 = tpu.memref_squeeze %dma_wait3A_711 : memref<1x!tpu.dma_semaphore, #tpu.memory_space<semaphore_mem>> -> memref<!tpu.dma_semaphore, #tpu.memory_space<semaphore_mem>>
    tpu.wait_indirect_dma semaphore(%dma_wait3A_712 : memref<!tpu.dma_semaphore, #tpu.memory_space<semaphore_mem>>) src(%dma_wait3A_710 : memref<16x128xf32, #tpu.memory_space<vmem_shared>>) dst(%dma_wait3A_704 : memref<64x128xf32, #tpu.memory_space<vmem>>)
    %add3A_713 = arith.constant 192 : i32
    %add3A_714 = arith.addi %mul3A_2, %add3A_713 : i32
    %dma_start3A_715 = arith.constant 192 : i32
    %dma_start3A_716 = arith.constant 0 : i32
    %dma_start3A_717 = tpu.memref_slice %arg9[%dma_start3A_715, %dma_start3A_716] : memref<512x128xf32, #tpu.memory_space<vmem>> -> memref<64x128xf32, #tpu.memory_space<vmem>>
    %dma_start3A_718 = arith.constant 0 : i32
    %dma_start3A_719 = tpu.memref_slice %arg5[%add3A_714, %dma_start3A_718] : memref<16384x128xf32, #tpu.memory_space<hbm>> -> memref<64x128xf32, #tpu.memory_space<hbm>>
    %dma_start3A_720 = arith.constant 0 : i32
    %dma_start3A_721 = tpu.memref_slice %arg5[%add3A_714, %dma_start3A_720] : memref<16384x128xf32, #tpu.memory_space<hbm>> -> memref<64x128xf32, #tpu.memory_space<hbm>>
    %dma_start3A_722 = arith.constant 192 : i32
    %dma_start3A_723 = arith.constant 0 : i32
    %dma_start3A_724 = tpu.memref_slice %arg9[%dma_start3A_722, %dma_start3A_723] : memref<512x128xf32, #tpu.memory_space<vmem>> -> memref<64x128xf32, #tpu.memory_space<vmem>>
    tpu.enqueue_dma source(%dma_start3A_724 : memref<64x128xf32, #tpu.memory_space<vmem>>) target(%dma_start3A_721 : memref<64x128xf32, #tpu.memory_space<hbm>>) target_semaphore(%arg12 : memref<!tpu.dma_semaphore, #tpu.memory_space<semaphore_mem>>)
    %dma_wait3A_725 = arith.constant 4 : i32
    %dma_wait3A_726 = arith.constant 4 : i32
    %dma_wait3A_727 = arith.constant 256 : i32
    %dma_wait3A_728 = arith.constant 0 : i32
    %dma_wait3A_729 = tpu.memref_slice %arg9[%dma_wait3A_727, %dma_wait3A_728] : memref<512x128xf32, #tpu.memory_space<vmem>> -> memref<64x128xf32, #tpu.memory_space<vmem>>
    %dma_wait3A_730 = arith.constant 0 : i32
    %dma_wait3A_731 = tpu.memref_slice %arg8[%dma_wait3A_725, %dma_wait3A_730] : memref<8x64xi32, #tpu.memory_space<vmem>> -> memref<1x64xi32, #tpu.memory_space<vmem>>
    %dma_wait3A_732 = tpu.memref_squeeze %dma_wait3A_731 : memref<1x64xi32, #tpu.memory_space<vmem>> -> memref<64xi32, #tpu.memory_space<vmem>>
    %dma_wait3A_733 = arith.constant 0 : i32
    %dma_wait3A_734 = arith.constant 0 : i32
    %dma_wait3A_735 = tpu.memref_slice %arg10[%dma_wait3A_733, %dma_wait3A_734] : memref<16x128xf32, #tpu.memory_space<vmem_shared>> -> memref<16x128xf32, #tpu.memory_space<vmem_shared>>
    %dma_wait3A_736 = tpu.memref_slice %arg11[%dma_wait3A_726] : memref<8x!tpu.dma_semaphore, #tpu.memory_space<semaphore_mem>> -> memref<1x!tpu.dma_semaphore, #tpu.memory_space<semaphore_mem>>
    %dma_wait3A_737 = tpu.memref_squeeze %dma_wait3A_736 : memref<1x!tpu.dma_semaphore, #tpu.memory_space<semaphore_mem>> -> memref<!tpu.dma_semaphore, #tpu.memory_space<semaphore_mem>>
    tpu.wait_indirect_dma semaphore(%dma_wait3A_737 : memref<!tpu.dma_semaphore, #tpu.memory_space<semaphore_mem>>) src(%dma_wait3A_735 : memref<16x128xf32, #tpu.memory_space<vmem_shared>>) dst(%dma_wait3A_729 : memref<64x128xf32, #tpu.memory_space<vmem>>)
    %add3A_738 = arith.constant 256 : i32
    %add3A_739 = arith.addi %mul3A_2, %add3A_738 : i32
    %dma_start3A_740 = arith.constant 256 : i32
    %dma_start3A_741 = arith.constant 0 : i32
    %dma_start3A_742 = tpu.memref_slice %arg9[%dma_start3A_740, %dma_start3A_741] : memref<512x128xf32, #tpu.memory_space<vmem>> -> memref<64x128xf32, #tpu.memory_space<vmem>>
    %dma_start3A_743 = arith.constant 0 : i32
    %dma_start3A_744 = tpu.memref_slice %arg5[%add3A_739, %dma_start3A_743] : memref<16384x128xf32, #tpu.memory_space<hbm>> -> memref<64x128xf32, #tpu.memory_space<hbm>>
    %dma_start3A_745 = arith.constant 0 : i32
    %dma_start3A_746 = tpu.memref_slice %arg5[%add3A_739, %dma_start3A_745] : memref<16384x128xf32, #tpu.memory_space<hbm>> -> memref<64x128xf32, #tpu.memory_space<hbm>>
    %dma_start3A_747 = arith.constant 256 : i32
    %dma_start3A_748 = arith.constant 0 : i32
    %dma_start3A_749 = tpu.memref_slice %arg9[%dma_start3A_747, %dma_start3A_748] : memref<512x128xf32, #tpu.memory_space<vmem>> -> memref<64x128xf32, #tpu.memory_space<vmem>>
    tpu.enqueue_dma source(%dma_start3A_749 : memref<64x128xf32, #tpu.memory_space<vmem>>) target(%dma_start3A_746 : memref<64x128xf32, #tpu.memory_space<hbm>>) target_semaphore(%arg12 : memref<!tpu.dma_semaphore, #tpu.memory_space<semaphore_mem>>)
    %dma_wait3A_750 = arith.constant 5 : i32
    %dma_wait3A_751 = arith.constant 5 : i32
    %dma_wait3A_752 = arith.constant 320 : i32
    %dma_wait3A_753 = arith.constant 0 : i32
    %dma_wait3A_754 = tpu.memref_slice %arg9[%dma_wait3A_752, %dma_wait3A_753] : memref<512x128xf32, #tpu.memory_space<vmem>> -> memref<64x128xf32, #tpu.memory_space<vmem>>
    %dma_wait3A_755 = arith.constant 0 : i32
    %dma_wait3A_756 = tpu.memref_slice %arg8[%dma_wait3A_750, %dma_wait3A_755] : memref<8x64xi32, #tpu.memory_space<vmem>> -> memref<1x64xi32, #tpu.memory_space<vmem>>
    %dma_wait3A_757 = tpu.memref_squeeze %dma_wait3A_756 : memref<1x64xi32, #tpu.memory_space<vmem>> -> memref<64xi32, #tpu.memory_space<vmem>>
    %dma_wait3A_758 = arith.constant 0 : i32
    %dma_wait3A_759 = arith.constant 0 : i32
    %dma_wait3A_760 = tpu.memref_slice %arg10[%dma_wait3A_758, %dma_wait3A_759] : memref<16x128xf32, #tpu.memory_space<vmem_shared>> -> memref<16x128xf32, #tpu.memory_space<vmem_shared>>
    %dma_wait3A_761 = tpu.memref_slice %arg11[%dma_wait3A_751] : memref<8x!tpu.dma_semaphore, #tpu.memory_space<semaphore_mem>> -> memref<1x!tpu.dma_semaphore, #tpu.memory_space<semaphore_mem>>
    %dma_wait3A_762 = tpu.memref_squeeze %dma_wait3A_761 : memref<1x!tpu.dma_semaphore, #tpu.memory_space<semaphore_mem>> -> memref<!tpu.dma_semaphore, #tpu.memory_space<semaphore_mem>>
    tpu.wait_indirect_dma semaphore(%dma_wait3A_762 : memref<!tpu.dma_semaphore, #tpu.memory_space<semaphore_mem>>) src(%dma_wait3A_760 : memref<16x128xf32, #tpu.memory_space<vmem_shared>>) dst(%dma_wait3A_754 : memref<64x128xf32, #tpu.memory_space<vmem>>)
    %add3A_763 = arith.constant 320 : i32
    %add3A_764 = arith.addi %mul3A_2, %add3A_763 : i32
    %dma_start3A_765 = arith.constant 320 : i32
    %dma_start3A_766 = arith.constant 0 : i32
    %dma_start3A_767 = tpu.memref_slice %arg9[%dma_start3A_765, %dma_start3A_766] : memref<512x128xf32, #tpu.memory_space<vmem>> -> memref<64x128xf32, #tpu.memory_space<vmem>>
    %dma_start3A_768 = arith.constant 0 : i32
    %dma_start3A_769 = tpu.memref_slice %arg5[%add3A_764, %dma_start3A_768] : memref<16384x128xf32, #tpu.memory_space<hbm>> -> memref<64x128xf32, #tpu.memory_space<hbm>>
    %dma_start3A_770 = arith.constant 0 : i32
    %dma_start3A_771 = tpu.memref_slice %arg5[%add3A_764, %dma_start3A_770] : memref<16384x128xf32, #tpu.memory_space<hbm>> -> memref<64x128xf32, #tpu.memory_space<hbm>>
    %dma_start3A_772 = arith.constant 320 : i32
    %dma_start3A_773 = arith.constant 0 : i32
    %dma_start3A_774 = tpu.memref_slice %arg9[%dma_start3A_772, %dma_start3A_773] : memref<512x128xf32, #tpu.memory_space<vmem>> -> memref<64x128xf32, #tpu.memory_space<vmem>>
    tpu.enqueue_dma source(%dma_start3A_774 : memref<64x128xf32, #tpu.memory_space<vmem>>) target(%dma_start3A_771 : memref<64x128xf32, #tpu.memory_space<hbm>>) target_semaphore(%arg12 : memref<!tpu.dma_semaphore, #tpu.memory_space<semaphore_mem>>)
    %dma_wait3A_775 = arith.constant 6 : i32
    %dma_wait3A_776 = arith.constant 6 : i32
    %dma_wait3A_777 = arith.constant 384 : i32
    %dma_wait3A_778 = arith.constant 0 : i32
    %dma_wait3A_779 = tpu.memref_slice %arg9[%dma_wait3A_777, %dma_wait3A_778] : memref<512x128xf32, #tpu.memory_space<vmem>> -> memref<64x128xf32, #tpu.memory_space<vmem>>
    %dma_wait3A_780 = arith.constant 0 : i32
    %dma_wait3A_781 = tpu.memref_slice %arg8[%dma_wait3A_775, %dma_wait3A_780] : memref<8x64xi32, #tpu.memory_space<vmem>> -> memref<1x64xi32, #tpu.memory_space<vmem>>
    %dma_wait3A_782 = tpu.memref_squeeze %dma_wait3A_781 : memref<1x64xi32, #tpu.memory_space<vmem>> -> memref<64xi32, #tpu.memory_space<vmem>>
    %dma_wait3A_783 = arith.constant 0 : i32
    %dma_wait3A_784 = arith.constant 0 : i32
    %dma_wait3A_785 = tpu.memref_slice %arg10[%dma_wait3A_783, %dma_wait3A_784] : memref<16x128xf32, #tpu.memory_space<vmem_shared>> -> memref<16x128xf32, #tpu.memory_space<vmem_shared>>
    %dma_wait3A_786 = tpu.memref_slice %arg11[%dma_wait3A_776] : memref<8x!tpu.dma_semaphore, #tpu.memory_space<semaphore_mem>> -> memref<1x!tpu.dma_semaphore, #tpu.memory_space<semaphore_mem>>
    %dma_wait3A_787 = tpu.memref_squeeze %dma_wait3A_786 : memref<1x!tpu.dma_semaphore, #tpu.memory_space<semaphore_mem>> -> memref<!tpu.dma_semaphore, #tpu.memory_space<semaphore_mem>>
    tpu.wait_indirect_dma semaphore(%dma_wait3A_787 : memref<!tpu.dma_semaphore, #tpu.memory_space<semaphore_mem>>) src(%dma_wait3A_785 : memref<16x128xf32, #tpu.memory_space<vmem_shared>>) dst(%dma_wait3A_779 : memref<64x128xf32, #tpu.memory_space<vmem>>)
    %add3A_788 = arith.constant 384 : i32
    %add3A_789 = arith.addi %mul3A_2, %add3A_788 : i32
    %dma_start3A_790 = arith.constant 384 : i32
    %dma_start3A_791 = arith.constant 0 : i32
    %dma_start3A_792 = tpu.memref_slice %arg9[%dma_start3A_790, %dma_start3A_791] : memref<512x128xf32, #tpu.memory_space<vmem>> -> memref<64x128xf32, #tpu.memory_space<vmem>>
    %dma_start3A_793 = arith.constant 0 : i32
    %dma_start3A_794 = tpu.memref_slice %arg5[%add3A_789, %dma_start3A_793] : memref<16384x128xf32, #tpu.memory_space<hbm>> -> memref<64x128xf32, #tpu.memory_space<hbm>>
    %dma_start3A_795 = arith.constant 0 : i32
    %dma_start3A_796 = tpu.memref_slice %arg5[%add3A_789, %dma_start3A_795] : memref<16384x128xf32, #tpu.memory_space<hbm>> -> memref<64x128xf32, #tpu.memory_space<hbm>>
    %dma_start3A_797 = arith.constant 384 : i32
    %dma_start3A_798 = arith.constant 0 : i32
    %dma_start3A_799 = tpu.memref_slice %arg9[%dma_start3A_797, %dma_start3A_798] : memref<512x128xf32, #tpu.memory_space<vmem>> -> memref<64x128xf32, #tpu.memory_space<vmem>>
    tpu.enqueue_dma source(%dma_start3A_799 : memref<64x128xf32, #tpu.memory_space<vmem>>) target(%dma_start3A_796 : memref<64x128xf32, #tpu.memory_space<hbm>>) target_semaphore(%arg12 : memref<!tpu.dma_semaphore, #tpu.memory_space<semaphore_mem>>)
    %dma_wait3A_800 = arith.constant 7 : i32
    %dma_wait3A_801 = arith.constant 7 : i32
    %dma_wait3A_802 = arith.constant 448 : i32
    %dma_wait3A_803 = arith.constant 0 : i32
    %dma_wait3A_804 = tpu.memref_slice %arg9[%dma_wait3A_802, %dma_wait3A_803] : memref<512x128xf32, #tpu.memory_space<vmem>> -> memref<64x128xf32, #tpu.memory_space<vmem>>
    %dma_wait3A_805 = arith.constant 0 : i32
    %dma_wait3A_806 = tpu.memref_slice %arg8[%dma_wait3A_800, %dma_wait3A_805] : memref<8x64xi32, #tpu.memory_space<vmem>> -> memref<1x64xi32, #tpu.memory_space<vmem>>
    %dma_wait3A_807 = tpu.memref_squeeze %dma_wait3A_806 : memref<1x64xi32, #tpu.memory_space<vmem>> -> memref<64xi32, #tpu.memory_space<vmem>>
    %dma_wait3A_808 = arith.constant 0 : i32
    %dma_wait3A_809 = arith.constant 0 : i32
    %dma_wait3A_810 = tpu.memref_slice %arg10[%dma_wait3A_808, %dma_wait3A_809] : memref<16x128xf32, #tpu.memory_space<vmem_shared>> -> memref<16x128xf32, #tpu.memory_space<vmem_shared>>
    %dma_wait3A_811 = tpu.memref_slice %arg11[%dma_wait3A_801] : memref<8x!tpu.dma_semaphore, #tpu.memory_space<semaphore_mem>> -> memref<1x!tpu.dma_semaphore, #tpu.memory_space<semaphore_mem>>
    %dma_wait3A_812 = tpu.memref_squeeze %dma_wait3A_811 : memref<1x!tpu.dma_semaphore, #tpu.memory_space<semaphore_mem>> -> memref<!tpu.dma_semaphore, #tpu.memory_space<semaphore_mem>>
    tpu.wait_indirect_dma semaphore(%dma_wait3A_812 : memref<!tpu.dma_semaphore, #tpu.memory_space<semaphore_mem>>) src(%dma_wait3A_810 : memref<16x128xf32, #tpu.memory_space<vmem_shared>>) dst(%dma_wait3A_804 : memref<64x128xf32, #tpu.memory_space<vmem>>)
    %add3A_813 = arith.constant 448 : i32
    %add3A_814 = arith.addi %mul3A_2, %add3A_813 : i32
    %dma_start3A_815 = arith.constant 448 : i32
    %dma_start3A_816 = arith.constant 0 : i32
    %dma_start3A_817 = tpu.memref_slice %arg9[%dma_start3A_815, %dma_start3A_816] : memref<512x128xf32, #tpu.memory_space<vmem>> -> memref<64x128xf32, #tpu.memory_space<vmem>>
    %dma_start3A_818 = arith.constant 0 : i32
    %dma_start3A_819 = tpu.memref_slice %arg5[%add3A_814, %dma_start3A_818] : memref<16384x128xf32, #tpu.memory_space<hbm>> -> memref<64x128xf32, #tpu.memory_space<hbm>>
    %dma_start3A_820 = arith.constant 0 : i32
    %dma_start3A_821 = tpu.memref_slice %arg5[%add3A_814, %dma_start3A_820] : memref<16384x128xf32, #tpu.memory_space<hbm>> -> memref<64x128xf32, #tpu.memory_space<hbm>>
    %dma_start3A_822 = arith.constant 448 : i32
    %dma_start3A_823 = arith.constant 0 : i32
    %dma_start3A_824 = tpu.memref_slice %arg9[%dma_start3A_822, %dma_start3A_823] : memref<512x128xf32, #tpu.memory_space<vmem>> -> memref<64x128xf32, #tpu.memory_space<vmem>>
    tpu.enqueue_dma source(%dma_start3A_824 : memref<64x128xf32, #tpu.memory_space<vmem>>) target(%dma_start3A_821 : memref<64x128xf32, #tpu.memory_space<hbm>>) target_semaphore(%arg12 : memref<!tpu.dma_semaphore, #tpu.memory_space<semaphore_mem>>)
    %dma_wait3A_825 = arith.constant 0 : i32
    %dma_wait3A_826 = arith.constant 0 : i32
    %dma_wait3A_827 = tpu.memref_slice %arg9[%dma_wait3A_825, %dma_wait3A_826] : memref<512x128xf32, #tpu.memory_space<vmem>> -> memref<64x128xf32, #tpu.memory_space<vmem>>
    %dma_wait3A_828 = arith.constant 0 : i32
    %dma_wait3A_829 = tpu.memref_slice %arg5[%add3A_639, %dma_wait3A_828] : memref<16384x128xf32, #tpu.memory_space<hbm>> -> memref<64x128xf32, #tpu.memory_space<hbm>>
    %dma_wait3A_830 = arith.constant 0 : i32
    %dma_wait3A_831 = tpu.memref_slice %arg5[%add3A_639, %dma_wait3A_830] : memref<16384x128xf32, #tpu.memory_space<hbm>> -> memref<64x128xf32, #tpu.memory_space<hbm>>
    %dma_wait3A_832 = arith.constant 0 : i32
    %dma_wait3A_833 = arith.constant 0 : i32
    %dma_wait3A_834 = tpu.memref_slice %arg9[%dma_wait3A_832, %dma_wait3A_833] : memref<512x128xf32, #tpu.memory_space<vmem>> -> memref<64x128xf32, #tpu.memory_space<vmem>>
    tpu.wait_dma2 semaphore(%arg12 : memref<!tpu.dma_semaphore, #tpu.memory_space<semaphore_mem>>) src(%dma_wait3A_834 : memref<64x128xf32, #tpu.memory_space<vmem>>) dst(%dma_wait3A_831 : memref<64x128xf32, #tpu.memory_space<hbm>>)
    %dma_wait3A_835 = arith.constant 64 : i32
    %dma_wait3A_836 = arith.constant 0 : i32
    %dma_wait3A_837 = tpu.memref_slice %arg9[%dma_wait3A_835, %dma_wait3A_836] : memref<512x128xf32, #tpu.memory_space<vmem>> -> memref<64x128xf32, #tpu.memory_space<vmem>>
    %dma_wait3A_838 = arith.constant 0 : i32
    %dma_wait3A_839 = tpu.memref_slice %arg5[%add3A_664, %dma_wait3A_838] : memref<16384x128xf32, #tpu.memory_space<hbm>> -> memref<64x128xf32, #tpu.memory_space<hbm>>
    %dma_wait3A_840 = arith.constant 0 : i32
    %dma_wait3A_841 = tpu.memref_slice %arg5[%add3A_664, %dma_wait3A_840] : memref<16384x128xf32, #tpu.memory_space<hbm>> -> memref<64x128xf32, #tpu.memory_space<hbm>>
    %dma_wait3A_842 = arith.constant 64 : i32
    %dma_wait3A_843 = arith.constant 0 : i32
    %dma_wait3A_844 = tpu.memref_slice %arg9[%dma_wait3A_842, %dma_wait3A_843] : memref<512x128xf32, #tpu.memory_space<vmem>> -> memref<64x128xf32, #tpu.memory_space<vmem>>
    tpu.wait_dma2 semaphore(%arg12 : memref<!tpu.dma_semaphore, #tpu.memory_space<semaphore_mem>>) src(%dma_wait3A_844 : memref<64x128xf32, #tpu.memory_space<vmem>>) dst(%dma_wait3A_841 : memref<64x128xf32, #tpu.memory_space<hbm>>)
    %dma_wait3A_845 = arith.constant 128 : i32
    %dma_wait3A_846 = arith.constant 0 : i32
    %dma_wait3A_847 = tpu.memref_slice %arg9[%dma_wait3A_845, %dma_wait3A_846] : memref<512x128xf32, #tpu.memory_space<vmem>> -> memref<64x128xf32, #tpu.memory_space<vmem>>
    %dma_wait3A_848 = arith.constant 0 : i32
    %dma_wait3A_849 = tpu.memref_slice %arg5[%add3A_689, %dma_wait3A_848] : memref<16384x128xf32, #tpu.memory_space<hbm>> -> memref<64x128xf32, #tpu.memory_space<hbm>>
    %dma_wait3A_850 = arith.constant 0 : i32
    %dma_wait3A_851 = tpu.memref_slice %arg5[%add3A_689, %dma_wait3A_850] : memref<16384x128xf32, #tpu.memory_space<hbm>> -> memref<64x128xf32, #tpu.memory_space<hbm>>
    %dma_wait3A_852 = arith.constant 128 : i32
    %dma_wait3A_853 = arith.constant 0 : i32
    %dma_wait3A_854 = tpu.memref_slice %arg9[%dma_wait3A_852, %dma_wait3A_853] : memref<512x128xf32, #tpu.memory_space<vmem>> -> memref<64x128xf32, #tpu.memory_space<vmem>>
    tpu.wait_dma2 semaphore(%arg12 : memref<!tpu.dma_semaphore, #tpu.memory_space<semaphore_mem>>) src(%dma_wait3A_854 : memref<64x128xf32, #tpu.memory_space<vmem>>) dst(%dma_wait3A_851 : memref<64x128xf32, #tpu.memory_space<hbm>>)
    %dma_wait3A_855 = arith.constant 192 : i32
    %dma_wait3A_856 = arith.constant 0 : i32
    %dma_wait3A_857 = tpu.memref_slice %arg9[%dma_wait3A_855, %dma_wait3A_856] : memref<512x128xf32, #tpu.memory_space<vmem>> -> memref<64x128xf32, #tpu.memory_space<vmem>>
    %dma_wait3A_858 = arith.constant 0 : i32
    %dma_wait3A_859 = tpu.memref_slice %arg5[%add3A_714, %dma_wait3A_858] : memref<16384x128xf32, #tpu.memory_space<hbm>> -> memref<64x128xf32, #tpu.memory_space<hbm>>
    %dma_wait3A_860 = arith.constant 0 : i32
    %dma_wait3A_861 = tpu.memref_slice %arg5[%add3A_714, %dma_wait3A_860] : memref<16384x128xf32, #tpu.memory_space<hbm>> -> memref<64x128xf32, #tpu.memory_space<hbm>>
    %dma_wait3A_862 = arith.constant 192 : i32
    %dma_wait3A_863 = arith.constant 0 : i32
    %dma_wait3A_864 = tpu.memref_slice %arg9[%dma_wait3A_862, %dma_wait3A_863] : memref<512x128xf32, #tpu.memory_space<vmem>> -> memref<64x128xf32, #tpu.memory_space<vmem>>
    tpu.wait_dma2 semaphore(%arg12 : memref<!tpu.dma_semaphore, #tpu.memory_space<semaphore_mem>>) src(%dma_wait3A_864 : memref<64x128xf32, #tpu.memory_space<vmem>>) dst(%dma_wait3A_861 : memref<64x128xf32, #tpu.memory_space<hbm>>)
    %dma_wait3A_865 = arith.constant 256 : i32
    %dma_wait3A_866 = arith.constant 0 : i32
    %dma_wait3A_867 = tpu.memref_slice %arg9[%dma_wait3A_865, %dma_wait3A_866] : memref<512x128xf32, #tpu.memory_space<vmem>> -> memref<64x128xf32, #tpu.memory_space<vmem>>
    %dma_wait3A_868 = arith.constant 0 : i32
    %dma_wait3A_869 = tpu.memref_slice %arg5[%add3A_739, %dma_wait3A_868] : memref<16384x128xf32, #tpu.memory_space<hbm>> -> memref<64x128xf32, #tpu.memory_space<hbm>>
    %dma_wait3A_870 = arith.constant 0 : i32
    %dma_wait3A_871 = tpu.memref_slice %arg5[%add3A_739, %dma_wait3A_870] : memref<16384x128xf32, #tpu.memory_space<hbm>> -> memref<64x128xf32, #tpu.memory_space<hbm>>
    %dma_wait3A_872 = arith.constant 256 : i32
    %dma_wait3A_873 = arith.constant 0 : i32
    %dma_wait3A_874 = tpu.memref_slice %arg9[%dma_wait3A_872, %dma_wait3A_873] : memref<512x128xf32, #tpu.memory_space<vmem>> -> memref<64x128xf32, #tpu.memory_space<vmem>>
    tpu.wait_dma2 semaphore(%arg12 : memref<!tpu.dma_semaphore, #tpu.memory_space<semaphore_mem>>) src(%dma_wait3A_874 : memref<64x128xf32, #tpu.memory_space<vmem>>) dst(%dma_wait3A_871 : memref<64x128xf32, #tpu.memory_space<hbm>>)
    %dma_wait3A_875 = arith.constant 320 : i32
    %dma_wait3A_876 = arith.constant 0 : i32
    %dma_wait3A_877 = tpu.memref_slice %arg9[%dma_wait3A_875, %dma_wait3A_876] : memref<512x128xf32, #tpu.memory_space<vmem>> -> memref<64x128xf32, #tpu.memory_space<vmem>>
    %dma_wait3A_878 = arith.constant 0 : i32
    %dma_wait3A_879 = tpu.memref_slice %arg5[%add3A_764, %dma_wait3A_878] : memref<16384x128xf32, #tpu.memory_space<hbm>> -> memref<64x128xf32, #tpu.memory_space<hbm>>
    %dma_wait3A_880 = arith.constant 0 : i32
    %dma_wait3A_881 = tpu.memref_slice %arg5[%add3A_764, %dma_wait3A_880] : memref<16384x128xf32, #tpu.memory_space<hbm>> -> memref<64x128xf32, #tpu.memory_space<hbm>>
    %dma_wait3A_882 = arith.constant 320 : i32
    %dma_wait3A_883 = arith.constant 0 : i32
    %dma_wait3A_884 = tpu.memref_slice %arg9[%dma_wait3A_882, %dma_wait3A_883] : memref<512x128xf32, #tpu.memory_space<vmem>> -> memref<64x128xf32, #tpu.memory_space<vmem>>
    tpu.wait_dma2 semaphore(%arg12 : memref<!tpu.dma_semaphore, #tpu.memory_space<semaphore_mem>>) src(%dma_wait3A_884 : memref<64x128xf32, #tpu.memory_space<vmem>>) dst(%dma_wait3A_881 : memref<64x128xf32, #tpu.memory_space<hbm>>)
    %dma_wait3A_885 = arith.constant 384 : i32
    %dma_wait3A_886 = arith.constant 0 : i32
    %dma_wait3A_887 = tpu.memref_slice %arg9[%dma_wait3A_885, %dma_wait3A_886] : memref<512x128xf32, #tpu.memory_space<vmem>> -> memref<64x128xf32, #tpu.memory_space<vmem>>
    %dma_wait3A_888 = arith.constant 0 : i32
    %dma_wait3A_889 = tpu.memref_slice %arg5[%add3A_789, %dma_wait3A_888] : memref<16384x128xf32, #tpu.memory_space<hbm>> -> memref<64x128xf32, #tpu.memory_space<hbm>>
    %dma_wait3A_890 = arith.constant 0 : i32
    %dma_wait3A_891 = tpu.memref_slice %arg5[%add3A_789, %dma_wait3A_890] : memref<16384x128xf32, #tpu.memory_space<hbm>> -> memref<64x128xf32, #tpu.memory_space<hbm>>
    %dma_wait3A_892 = arith.constant 384 : i32
    %dma_wait3A_893 = arith.constant 0 : i32
    %dma_wait3A_894 = tpu.memref_slice %arg9[%dma_wait3A_892, %dma_wait3A_893] : memref<512x128xf32, #tpu.memory_space<vmem>> -> memref<64x128xf32, #tpu.memory_space<vmem>>
    tpu.wait_dma2 semaphore(%arg12 : memref<!tpu.dma_semaphore, #tpu.memory_space<semaphore_mem>>) src(%dma_wait3A_894 : memref<64x128xf32, #tpu.memory_space<vmem>>) dst(%dma_wait3A_891 : memref<64x128xf32, #tpu.memory_space<hbm>>)
    %dma_wait3A_895 = arith.constant 448 : i32
    %dma_wait3A_896 = arith.constant 0 : i32
    %dma_wait3A_897 = tpu.memref_slice %arg9[%dma_wait3A_895, %dma_wait3A_896] : memref<512x128xf32, #tpu.memory_space<vmem>> -> memref<64x128xf32, #tpu.memory_space<vmem>>
    %dma_wait3A_898 = arith.constant 0 : i32
    %dma_wait3A_899 = tpu.memref_slice %arg5[%add3A_814, %dma_wait3A_898] : memref<16384x128xf32, #tpu.memory_space<hbm>> -> memref<64x128xf32, #tpu.memory_space<hbm>>
    %dma_wait3A_900 = arith.constant 0 : i32
    %dma_wait3A_901 = tpu.memref_slice %arg5[%add3A_814, %dma_wait3A_900] : memref<16384x128xf32, #tpu.memory_space<hbm>> -> memref<64x128xf32, #tpu.memory_space<hbm>>
    %dma_wait3A_902 = arith.constant 448 : i32
    %dma_wait3A_903 = arith.constant 0 : i32
    %dma_wait3A_904 = tpu.memref_slice %arg9[%dma_wait3A_902, %dma_wait3A_903] : memref<512x128xf32, #tpu.memory_space<vmem>> -> memref<64x128xf32, #tpu.memory_space<vmem>>
    tpu.wait_dma2 semaphore(%arg12 : memref<!tpu.dma_semaphore, #tpu.memory_space<semaphore_mem>>) src(%dma_wait3A_904 : memref<64x128xf32, #tpu.memory_space<vmem>>) dst(%dma_wait3A_901 : memref<64x128xf32, #tpu.memory_space<hbm>>)
    return
  }
}

module attributes {stable_mosaic.version = 14 : i64} {
  func.func @_mlp_table_body(%arg0: memref<3x64xf32, #tpu.memory_space<vmem>>, %arg1: memref<3x64xf32, #tpu.memory_space<vmem>>, %arg2: memref<128x128xf32, #tpu.memory_space<vmem>>, %arg3: memref<1x128xf32, #tpu.memory_space<vmem>>, %arg4: memref<128x128xf32, #tpu.memory_space<vmem>>, %arg5: memref<1x128xf32, #tpu.memory_space<vmem>>, %arg6: memref<16x128xf32, #tpu.memory_space<vmem>>) attributes {dimension_semantics = [], scalar_prefetch = 0 : i64, scratch_operands = 0 : i64, tpu.core_type = #tpu.core_type<tc>} {
    %iota3A = tpu.iota {dimensions = array<i32: 0>} : vector<16x3xi32>
    %iota3A_0 = tpu.iota {dimensions = array<i32: 1>} : vector<16x3xi32>
    %jit3A = arith.constant 3 : i32
    %div3A = vector.broadcast %jit3A : i32 to vector<16x3xi32>
    %div3A_1 = arith.divsi %iota3A, %div3A : vector<16x3xi32>
    %sign3A = arith.constant 0 : i32
    %sign3A_2 = vector.broadcast %sign3A : i32 to vector<16x3xi32>
    %sign3A_3 = arith.cmpi sgt, %iota3A, %sign3A_2 : vector<16x3xi32>
    %sign3A_4 = arith.extui %sign3A_3 : vector<16x3xi1> to vector<16x3xi32>
    %sign3A_5 = arith.constant 0 : i32
    %sign3A_6 = vector.broadcast %sign3A_5 : i32 to vector<16x3xi32>
    %sign3A_7 = arith.cmpi slt, %iota3A, %sign3A_6 : vector<16x3xi32>
    %sign3A_8 = arith.extui %sign3A_7 : vector<16x3xi1> to vector<16x3xi32>
    %sign3A_9 = arith.subi %sign3A_4, %sign3A_8 : vector<16x3xi32>
    %sign3A_10 = arith.constant 0 : i32
    %sign3A_11 = arith.cmpi sgt, %jit3A, %sign3A_10 : i32
    %sign3A_12 = arith.extui %sign3A_11 : i1 to i32
    %sign3A_13 = arith.constant 0 : i32
    %sign3A_14 = arith.cmpi slt, %jit3A, %sign3A_13 : i32
    %sign3A_15 = arith.extui %sign3A_14 : i1 to i32
    %sign3A_16 = arith.subi %sign3A_12, %sign3A_15 : i32
    %ne3A = vector.broadcast %sign3A_16 : i32 to vector<16x3xi32>
    %ne3A_17 = arith.cmpi ne, %sign3A_9, %ne3A : vector<16x3xi32>
    %rem3A = vector.broadcast %jit3A : i32 to vector<16x3xi32>
    %rem3A_18 = arith.remsi %iota3A, %rem3A : vector<16x3xi32>
    %ne3A_19 = arith.constant 0 : i32
    %ne3A_20 = vector.broadcast %ne3A_19 : i32 to vector<16x3xi32>
    %ne3A_21 = arith.cmpi ne, %rem3A_18, %ne3A_20 : vector<16x3xi32>
    %and3A = arith.andi %ne3A_17, %ne3A_21 : vector<16x3xi1>
    %sub3A = arith.constant 1 : i32
    %sub3A_22 = vector.broadcast %sub3A : i32 to vector<16x3xi32>
    %sub3A_23 = arith.subi %div3A_1, %sub3A_22 : vector<16x3xi32>
    %select_n3A = arith.select %and3A, %sub3A_23, %div3A_1 : vector<16x3xi1>, vector<16x3xi32>
    %eq3A = arith.cmpi eq, %select_n3A, %iota3A_0 : vector<16x3xi32>
    %convert_element_type3A = arith.extui %eq3A : vector<16x3xi1> to vector<16x3xi32>
    %convert_element_type3A_24 = arith.sitofp %convert_element_type3A : vector<16x3xi32> to vector<16x3xf32>
    %jit3A_25 = arith.constant 3 : i32
    %eq3A_26 = arith.constant 0 : i32
    %eq3A_27 = arith.cmpi eq, %jit3A_25, %eq3A_26 : i32
    %jit3A_28 = arith.constant 1 : i32
    %select_n3A_29 = arith.select %eq3A_27, %jit3A_28, %jit3A_25 : i32
    %rem3A_30 = vector.broadcast %select_n3A_29 : i32 to vector<16x3xi32>
    %rem3A_31 = arith.remsi %iota3A, %rem3A_30 : vector<16x3xi32>
    %ne3A_32 = arith.constant 0 : i32
    %ne3A_33 = vector.broadcast %ne3A_32 : i32 to vector<16x3xi32>
    %ne3A_34 = arith.cmpi ne, %rem3A_31, %ne3A_33 : vector<16x3xi32>
    %lt3A = arith.constant 0 : i32
    %lt3A_35 = vector.broadcast %lt3A : i32 to vector<16x3xi32>
    %lt3A_36 = arith.cmpi slt, %rem3A_31, %lt3A_35 : vector<16x3xi32>
    %lt3A_37 = arith.constant 0 : i32
    %lt3A_38 = arith.cmpi slt, %select_n3A_29, %lt3A_37 : i32
    %ne3A_39 = vector.broadcast %lt3A_38 : i1 to vector<16x3xi1>
    %ne3A_40 = vector.broadcast %ne3A_39 : vector<16x3xi1> to vector<16x3xi1>
    %ne3A_41 = arith.xori %lt3A_36, %ne3A_40 : vector<16x3xi1>
    %and3A_42 = arith.andi %ne3A_41, %ne3A_34 : vector<16x3xi1>
    %add3A = vector.broadcast %select_n3A_29 : i32 to vector<16x3xi32>
    %add3A_43 = arith.addi %rem3A_31, %add3A : vector<16x3xi32>
    %select_n3A_44 = arith.select %and3A_42, %add3A_43, %rem3A_31 : vector<16x3xi1>, vector<16x3xi32>
    %eq3A_45 = arith.cmpi eq, %select_n3A_44, %iota3A_0 : vector<16x3xi32>
    %convert_element_type3A_46 = arith.extui %eq3A_45 : vector<16x3xi1> to vector<16x3xi32>
    %convert_element_type3A_47 = arith.sitofp %convert_element_type3A_46 : vector<16x3xi32> to vector<16x3xf32>
    %get3A = arith.constant 0 : index
    %get3A_48 = arith.constant 0 : index
    %get3A_49 = vector.load %arg0[%get3A, %get3A_48] : memref<3x64xf32, #tpu.memory_space<vmem>>, vector<3x64xf32>
    %dot_general3A = arith.constant dense<0.000000e+00> : vector<16x64xf32>
    %dot_general3A_50 = tpu.matmul %convert_element_type3A_24, %get3A_49, %dot_general3A {dimension_numbers = #tpu.dot_dimension_numbers<[1], [0], [0], [1], [0, 0, 1, 1], [], []>, transpose_lhs_hint = false} : vector<16x3xf32>, vector<3x64xf32>, vector<16x64xf32> -> vector<16x64xf32>
    %get3A_51 = arith.constant 0 : index
    %get3A_52 = arith.constant 0 : index
    %get3A_53 = vector.load %arg1[%get3A_51, %get3A_52] : memref<3x64xf32, #tpu.memory_space<vmem>>, vector<3x64xf32>
    %dot_general3A_54 = arith.constant dense<0.000000e+00> : vector<16x64xf32>
    %dot_general3A_55 = tpu.matmul %convert_element_type3A_47, %get3A_53, %dot_general3A_54 {dimension_numbers = #tpu.dot_dimension_numbers<[1], [0], [0], [1], [0, 0, 1, 1], [], []>, transpose_lhs_hint = false} : vector<16x3xf32>, vector<3x64xf32>, vector<16x64xf32> -> vector<16x64xf32>
    %get3A_56 = arith.constant 0 : index
    %get3A_57 = arith.constant 0 : index
    %get3A_58 = vector.load %arg2[%get3A_56, %get3A_57] : memref<128x128xf32, #tpu.memory_space<vmem>>, vector<64x128xf32>
    %dot_general3A_59 = arith.constant dense<0.000000e+00> : vector<16x128xf32>
    %dot_general3A_60 = tpu.matmul %dot_general3A_50, %get3A_58, %dot_general3A_59 {dimension_numbers = #tpu.dot_dimension_numbers<[1], [0], [0], [1], [0, 0, 1, 1], [], []>, transpose_lhs_hint = false} : vector<16x64xf32>, vector<64x128xf32>, vector<16x128xf32> -> vector<16x128xf32>
    %get3A_61 = arith.constant 64 : index
    %get3A_62 = arith.constant 0 : index
    %get3A_63 = vector.load %arg2[%get3A_61, %get3A_62] : memref<128x128xf32, #tpu.memory_space<vmem>>, vector<64x128xf32>
    %dot_general3A_64 = arith.constant dense<0.000000e+00> : vector<16x128xf32>
    %dot_general3A_65 = tpu.matmul %dot_general3A_55, %get3A_63, %dot_general3A_64 {dimension_numbers = #tpu.dot_dimension_numbers<[1], [0], [0], [1], [0, 0, 1, 1], [], []>, transpose_lhs_hint = false} : vector<16x64xf32>, vector<64x128xf32>, vector<16x128xf32> -> vector<16x128xf32>
    %add3A_66 = arith.addf %dot_general3A_60, %dot_general3A_65 : vector<16x128xf32>
    %get3A_67 = arith.constant 0 : index
    %get3A_68 = arith.constant 0 : index
    %get3A_69 = vector.load %arg3[%get3A_67, %get3A_68] : memref<1x128xf32, #tpu.memory_space<vmem>>, vector<1x128xf32>
    %add3A_70 = vector.broadcast %get3A_69 : vector<1x128xf32> to vector<16x128xf32>
    %add3A_71 = arith.addf %add3A_66, %add3A_70 : vector<16x128xf32>
    %mul3A = arith.constant 5.000000e-01 : f32
    %mul3A_72 = vector.broadcast %mul3A : f32 to vector<16x128xf32>
    %mul3A_73 = arith.mulf %mul3A_72, %add3A_71 : vector<16x128xf32>
    %mul3A_74 = arith.constant 0.707106769 : f32
    %mul3A_75 = vector.broadcast %mul3A_74 : f32 to vector<16x128xf32>
    %mul3A_76 = arith.mulf %add3A_71, %mul3A_75 : vector<16x128xf32>
    %erf3A = math.erf %mul3A_76 : vector<16x128xf32>
    %add3A_77 = arith.constant 1.000000e+00 : f32
    %add3A_78 = vector.broadcast %add3A_77 : f32 to vector<16x128xf32>
    %add3A_79 = arith.addf %add3A_78, %erf3A : vector<16x128xf32>
    %mul3A_80 = arith.mulf %mul3A_73, %add3A_79 : vector<16x128xf32>
    %get3A_81 = arith.constant 0 : index
    %get3A_82 = arith.constant 0 : index
    %get3A_83 = vector.load %arg4[%get3A_81, %get3A_82] : memref<128x128xf32, #tpu.memory_space<vmem>>, vector<128x128xf32>
    %dot_general3A_84 = arith.constant dense<0.000000e+00> : vector<16x128xf32>
    %dot_general3A_85 = tpu.matmul %mul3A_80, %get3A_83, %dot_general3A_84 {dimension_numbers = #tpu.dot_dimension_numbers<[1], [0], [0], [1], [0, 0, 1, 1], [], []>, transpose_lhs_hint = false} : vector<16x128xf32>, vector<128x128xf32>, vector<16x128xf32> -> vector<16x128xf32>
    %get3A_86 = arith.constant 0 : index
    %get3A_87 = arith.constant 0 : index
    %get3A_88 = vector.load %arg5[%get3A_86, %get3A_87] : memref<1x128xf32, #tpu.memory_space<vmem>>, vector<1x128xf32>
    %add3A_89 = vector.broadcast %get3A_88 : vector<1x128xf32> to vector<16x128xf32>
    %add3A_90 = arith.addf %dot_general3A_85, %add3A_89 : vector<16x128xf32>
    %swap3A = arith.constant 0 : index
    %swap3A_91 = arith.constant 0 : index
    %swap3A_92 = vector.load %arg6[%swap3A, %swap3A_91] : memref<16x128xf32, #tpu.memory_space<vmem>>, vector<16x128xf32>
    tpu.vector_store %arg6[%swap3A, %swap3A_91], %add3A_90 {strides = array<i32>} : memref<16x128xf32, #tpu.memory_space<vmem>>, vector<16x128xf32>,
    return
  }
}

</mosaic_0001>

<sc_bundles>
// kernel: combo_gather.3.cloned.1.call-start
scs
__scs_entry_jumppad:
0x0: {  	(pc) =	sbr.rel $0x88, $3  }
0x1: {  	(tag) =	ssettag $0x0;
	lr =	simm.s32 $0x1  }
0x2: {  	[smem:$0x3F99] =	sst lr;
	_ =	strace $0xD0000000  }
0x3: {  	_ = 	snop  }
0x4: {  	_ = 	snop  }
0x5: {  	_ = 	snop  }
0x6: {  	_ = 	snop  }
0x7: {  	_ = 	snop  }
__scs_overlays_trampoline_lowered:
0x8: {  	[smem:$0x3FA8] =	sst s0  }
0x9: {  	[smem:$0x3FA9] =	sst s1  }
0xa: {  	[smem:$0x3FAA] =	sst s2  }
0xb: {  	[smem:$0x3FAB] =	sst s3  }
0xc: {  	[smem:$0x3FAC] =	sst s4  }
0xd: {  	[smem:$0x3FAD] =	sst s5  }
0xe: {  	[smem:$0x3FAE] =	sst s6  }
0xf: {  	[smem:$0x3FAF] =	sst s7  }
0x10: {  	[smem:$0x3FB0] =	sst s8  }
0x11: {  	[smem:$0x3FB1] =	sst s9;
	s0 =	simm.s32 @!p0 $0x0  }
0x12: {  	s1 =	sld [smem:$0x3F97];
	s0 =	simm.s32 @p0 $0x1  }
0x13: {  	[smem:$0x3FB2] =	sst s0;
	s0 =	simm.s32 @!p1 $0x0  }
0x14: {  	s2 =	sld [smem:$0x3F96];
	s0 =	simm.s32 @p1 $0x1  }
0x15: {  	[smem:$0x3FB3] =	sst s0;
	s0 =	simm.s32 @!p2 $0x0  }
0x16: {  	s3 =	sld [smem:$0x3FDB];
	s0 =	simm.s32 @p2 $0x1  }
0x17: {  	s4 =	simm.s32 $0x1BF5;
	[smem:$0x3FB5] =	sst s0  }
0x18: {  	s0 =	sld [smem:$0x3F98];
	_ =	swait.ge [sflag:s4], $0x0  }
0x19: {  	s7 =	sld [smem:$0x3F99]  }
0x1a: {  	s8 =	sadd.s32 $0xFFFFE003, lr  }
0x1b: {  	s9 =	sadd.s32 $0xFFFFFEF7, lr;
	s5 =	simm.s32 $0xFFFFFFFF;
	p2 =	slt.u32 s8, $0xFFFFF086  }
0x1c: {  	p1 =	slt.u32 s9, $0xF7A;
	s5 =	simm.s32 @!p2 $0x0  }
0x1d: {  	s5 =	simm.s32 @p1 $0x1;
	p0 =	seq.s32 s7, s2  }
0x1e: {  	s7 =	smul.u32 @!p0 $0xF7A, s2;
	p2 =	seq.s32 @!p0 s5, $0x0  }
0x1f: {  	s9 =	smul.u32 $0xF7A, s1;
	s8 =	simm.s32 @!p0 $0x1BF5;
	p2 =	por !p2, p0  }
0x20: {  	[sflag:s8] =	ssyncset.s32 @!p0 $0xFFFFF086;
	s6 =	sadd.s32 @!p0 s3, s7;
	s7 =	simm.s32 @!p0 $0x108  }
0x21: {  	s3 =	sadd.s32 s3, s9;
	s6 =	sadd.s32 @!p0 $0x88, s6;
	s7 =	simm.s32 @p2 $0x1082  }
0x22: {  	[simem:s7], [sflag:s8] =	dma.local @!p0 [hbm:s6], $0xF7A  }
0x23: {  	s9 =	sor.u32 $0xD0000000, s2;
	s6 =	simm.s32 $0x108;
	_ =	swait.ge @!p0 [sflag:s8], $0x0  }
0x24: {  	s3 =	sadd.s32 $0x88, s3;
	s6 =	simm.s32 @!p1 $0x1082;
	[sflag:s4] =	ssyncset.s32 $0xFFFFF086  }
0x25: {  	[simem:s6], [sflag:s4] =	dma.local [hbm:s3], $0xF7A  }
0x26: {  	[smem:$0x3F99] =	sst s1;
	(tag) =	ssettag s2;
	_ =	strace s9  }
0x27: {  	s1 =	sld [smem:$0x3FA9]  }
0x28: {  	s2 =	sld [smem:$0x3FAA]  }
0x29: {  	s4 =	sld [smem:$0x3FAC]  }
0x2a: {  	p0 =	seq.s32 s5, $0x0;
	s5 =	sld [smem:$0x3FAD]  }
0x2b: {  	s6 =	sld [smem:$0x3FAE]  }
0x2c: {  	s7 =	sld [smem:$0x3FAF]  }
0x2d: {  	s3 =	simm.s32 $0x108;
	s8 =	sld [smem:$0x3FB0]  }
0x2e: {  	s3 =	simm.s32 @!p0 $0x1082;
	s9 =	sld [smem:$0x3FB1]  }
0x2f: {  	lr =	sadd.s32 s0, s3;
	s0 =	sld [smem:$0x3FA8]  }
0x30: {  	s3 =	sld [smem:$0x3FAB]  }
0x31: {  	[smem:$0x3FB4] =	sst s10  }
0x32: {  	s10 =	sld [smem:$0x3FB2];
	_ =	sdelay $0x3  }
0x33: {  	p0 =	seq.s32 s10, $0x1;
	s10 =	sld [smem:$0x3FB4];
	_ =	sdelay $0x3  }
0x34: {  	[smem:$0x3FB4] =	sst s10  }
0x35: {  	s10 =	sld [smem:$0x3FB3];
	_ =	sdelay $0x3  }
0x36: {  	p1 =	seq.s32 s10, $0x1;
	s10 =	sld [smem:$0x3FB4];
	_ =	sdelay $0x3  }
0x37: {  	[smem:$0x3FB4] =	sst s10  }
0x38: {  	s10 =	sld [smem:$0x3FB5]  }
0x39: {  	_ = 	snop;
	(pc) =	sbr.ind lr, $3  }
0x3a: {  	_ = 	snop  }
0x3b: {  	_ = 	snop  }
0x3c: {  	p2 =	seq.s32 s10, $0x1;
	s10 =	sld [smem:$0x3FB4]  }
0x3d: {  	_ =	shalt  }
0x3e: {  	_ =	shalt  }
0x3f: {  	_ =	shalt  }
0x40: {  	_ =	shalt  }
0x41: {  	_ =	shalt  }
0x42: {  	_ =	shalt  }
0x43: {  	_ =	shalt  }
0x44: {  	_ =	shalt  }
0x45: {  	_ =	shalt  }
0x46: {  	_ =	shalt  }
0x47: {  	_ =	shalt  }
0x48: {  	_ =	shalt  }
0x49: {  	_ =	shalt  }
0x4a: {  	_ =	shalt  }
0x4b: {  	_ =	shalt  }
0x4c: {  	_ =	shalt  }
0x4d: {  	_ =	shalt  }
0x4e: {  	_ =	shalt  }
0x4f: {  	_ =	shalt  }
0x50: {  	_ =	shalt  }
0x51: {  	_ =	shalt  }
0x52: {  	_ =	shalt  }
0x53: {  	_ =	shalt  }
0x54: {  	_ =	shalt  }
0x55: {  	_ =	shalt  }
0x56: {  	_ =	shalt  }
0x57: {  	_ =	shalt  }
0x58: {  	_ =	shalt  }
0x59: {  	_ =	shalt  }
0x5a: {  	_ =	shalt  }
0x5b: {  	_ =	shalt  }
0x5c: {  	_ =	shalt  }
0x5d: {  	_ =	shalt  }
0x5e: {  	_ =	shalt  }
0x5f: {  	_ =	shalt  }
0x60: {  	_ =	shalt  }
0x61: {  	_ =	shalt  }
0x62: {  	_ =	shalt  }
0x63: {  	_ =	shalt  }
0x64: {  	_ =	shalt  }
0x65: {  	_ =	shalt  }
0x66: {  	_ =	shalt  }
0x67: {  	_ =	shalt  }
0x68: {  	_ =	shalt  }
0x69: {  	_ =	shalt  }
0x6a: {  	_ =	shalt  }
0x6b: {  	_ =	shalt  }
0x6c: {  	_ =	shalt  }
0x6d: {  	_ =	shalt  }
0x6e: {  	_ =	shalt  }
0x6f: {  	_ =	shalt  }
0x70: {  	_ =	shalt  }
0x71: {  	_ =	shalt  }
0x72: {  	_ =	shalt  }
0x73: {  	_ =	shalt  }
0x74: {  	_ =	shalt  }
0x75: {  	_ =	shalt  }
0x76: {  	_ =	shalt  }
0x77: {  	_ =	shalt  }
0x78: {  	_ =	shalt  }
0x79: {  	_ =	shalt  }
0x7a: {  	_ =	shalt  }
0x7b: {  	_ =	shalt  }
0x7c: {  	_ =	shalt  }
0x7d: {  	_ =	shalt  }
0x7e: {  	_ =	shalt  }
0x7f: {  	_ =	shalt  }
0x80: {  	_ =	shalt  }
0x81: {  	_ =	shalt  }
0x82: {  	_ =	shalt  }
0x83: {  	_ =	shalt  }
0x84: {  	_ =	shalt  }
0x85: {  	_ =	shalt  }
0x86: {  	_ =	shalt  }
0x87: {  	_ =	shalt  }
.Lfunc_end0:
.L_simem_size_0:
called_computation_lowered:
.L_overlay_start_0:
0x88: {  	s2 =	sld [smem:$0x3FD9]  }
0x89: {  	s3 =	sld [smem:$0x3FFE];
	_ =	sdelay $0x1  }
0x8a: {  	s1 =	srdreg.scid  }
0x8b: {  	s0 =	sand.u32 $0x1, s1  }
0x8c: {  	s17 =	sshll.u32 s0, $0xA;
	s2 =	sadd.s32 s3, s2  }
0x8d: {  	s2 =	sadd.s32 s2, s17  }
0x8e: {  	[smem:$0x3FC0] =	sst s2  }
0x8f: {  	_ = 	snop  }
0x90: {  	s2 =	sld [smem:$0x3FC9]  }
0x91: {  	s18 =	sld [smem:$0x3FC8]  }
0x92: {  	s4 =	sld [smem:$0x3FD0];
	(tm) =	ssettm $0x1  }
0x93: {  	s5 =	sld [smem:$0x3FFB];
	_ =	sdelay $0x3  }
0x94: {  	_ =	strace s5  }
0x95: {  	s5 =	sld [smem:$0x3FFC];
	_ =	sdelay $0x3  }
0x96: {  	_ =	strace s5  }
0x97: {  	s5 =	sld [smem:$0x3FFD];
	_ =	sdelay $0x3  }
0x98: {  	_ =	strace s5  }
0x99: {  	_ =	strace $0x8FFFFFFF  }
0x9a: {  	s19 =	sld [smem:$0x3FDB];
	_ =	sdelay $0x1  }
0x9b: {  	s6 =	simm.s32 $_scs_section_size  }
0x9c: {  	s7 =	simm.s32 $_size__tile_overlayer_lowered;
	s8 =	simm.s32 $_tile_overlayer_lowered  }
0x9d: {  	s22 =	simm.s32 $0x1BFF;
	s21 =	sshll.u32 s8, $0x1;
	s5 =	sadd.s32 s6, s19  }
0x9e: {  	s9 =	simm.s32 $0x0;
	s20 =	sshll.u32 s7, $0x1;
	s7 =	sadd.s32 s21, s5  }
0x9f: {  	[timem:s9], [sflag:s22] =	dma.local [hbm:s7], s20  }
0xa0: {  	_ =	swait.ge [sflag:s22], s20  }
0xa1: {  	s6 =	ssub.s32 $0x0, s20;
	[sflag:s22] =	ssyncset.done $0x0  }
0xa2: {  	[sflag:s22] =	ssyncadd.s32 s6;
	_ =	sdelay $0x1  }
0xa3: {  	s23 =	simm.s32 $0x1B8B  }
0xa4: {  	_ =	swait.ge [sflag:s23], $0x1  }
0xa5: {  	[sflag:s23] =	ssyncset.done $0x0  }
0xa6: {  	s25 =	simm.s32 $0x1B8E;
	s24 =	sld [smem:$0x3FFE];
	[sflag:s23] =	ssyncadd.s32 $0xFFFFFFFF  }
0xa7: {  	s26 =	simm.s32 $execute0_lowered;
	[smem:$0x3FD2] =	sst s25  }
0xa8: {  	s7 =	sshll.u32 s26, $0x1;
	_ =	strace $0x80000046;
	[dreg:$0x1] =	wrdreg $0xFFFFFFFF  }
0xa9: {  	s28 =	simm.s32 $_size_execute0_lowered;
	s5 =	sadd.s32 s5, s7;
	[dreg:$0x0] =	wrdreg $0x0  }
0xaa: {  	s7 =	sshll.u32 s28, $0x1;
	[dreg:$0x2] =	wrdreg s5  }
0xab: {  	[dreg:$0x3] =	wrdreg s7  }
0xac: {  	[dreg:$0x4] =	wrdreg $0xC0  }
0xad: {  	_ =	task [dreg:s9], $0x5FFFF  }
0xae: {  	[dreg:$0x1] =	wrdreg $0xFFFFFFFF  }
0xaf: {  	[dreg:$0x0] =	wrdreg $0x60  }
0xb0: {  	[dreg:$0x2] =	wrdreg s24  }
0xb1: {  	[dreg:$0x3] =	wrdreg s2  }
0xb2: {  	[dreg:$0x4] =	wrdreg s18  }
0xb3: {  	[dreg:$0x5] =	wrdreg s4  }
0xb4: {  	[dreg:$0x6] =	wrdreg $0x108000  }
0xb5: {  	[dreg:$0x7] =	wrdreg $0x9  }
0xb6: {  	_ =	task.clear_ibuf [dreg:s9], $0x8FFFF;
	_ =	strace $0x90000046  }
0xb7: {  	s29 =	simm.s32 $0x9;
	_ =	strace $0x80000048  }
0xb8: {  	_ =	swait.ge [sflag:s29], $0x1  }
0xb9: {  	[sflag:s29] =	ssyncadd.s32 $0xFFFFFFFF  }
0xba: {  	_ =	strace $0x90000048  }
0xbb: {  	_ =	sfence  }
0xbc: {  	s30 =	sld [smem:$0x0];
	_ =	sdelay $0x2  }
0xbd: {  	s31 =	sshll.u32 s1, $0xD;
	s1 =	sshrl.u32 s1, $0x2  }
0xbe: {  	s3 =	sand.u32 $0x4000, s31;
	s1 =	sadd.s32 s1, s30  }
0xbf: {  	s0 =	sor.u32 s3, s0;
	s1 =	sshll.u32 s1, $0x11  }
0xc0: {  	s0 =	sor.u32 s1, s0  }
0xc1: {  	s0 =	sadd.s32 $0x8F2B, s0  }
0xc2: {  	[sflag:s0] =	ssyncadd.remote.s32 $0x1  }
0xc3: {  	_ =	sfence.sel $0xFFFF  }
0xc4: {  	[dreg:$0x0] =	wrdreg $0xFFFFFFFF;
	(pc) =	sbr.abs _section_cstart, $3  }
0xc5: {  	[dreg:$0x1] =	wrdreg $0xFFFFFFFF  }
0xc6: {  	_ =	task.clear_ibuf [dreg:s9], $0x2FFFF;
	_ =	strace $0x9FFFFFFF  }
0xc7: {  	(tm) =	ssettm $0x7FFFFFFF  }
tec
execute0_lowered:
.L_overlay_start_1:
0x0: {  	(tag) =	ssettag $0x1  }
0x1: {  	s3 =	rddreg [dreg:$0x0]  }
0x2: {  	s4 =	rddreg [dreg:$0x1]  }
0x3: {  	s5 =	rddreg [dreg:$0x2]  }
0x4: {  	s6 =	rddreg [dreg:$0x3]  }
0x5: {  	s1 =	rddreg [dreg:$0x4]  }
0x6: {  	s2 =	srdreg.scid;
	s7 =	stileid.u32  }
0x7: {  	s26 =	simm.s32 $0x200;
	s30 =	simm.s32 $0x400;
	s31 =	simm.s32 $0x480  }
0x8: {  	s11 =	simm.s32 $0x580;
	s12 =	simm.s32 $0x6800;
	s13 =	simm.s32 $0x600  }
0x9: {  	s14 =	simm.s32 $0x8800;
	s15 =	simm.s32 $0x680;
	s28 =	simm.s32 $0x7  }
0xa: {  	s29 =	simm.s32 $0x8;
	s8 =	sand.u32 $0x1, s2;
	s2 =	simm.s32 $0x0  }
0xb: {  	s9 =	sshll.u32 s7, $0xA;
	s3 =	sadd.s32 $0x1200, s3;
	p0 =	sne.s32 s7, $0x0  }
0xc: {  	s7 =	simm.s32 $0x800;
	s10 =	sshll.u32 s8, $0x9;
	[smem:$0x7FF] =	sst s2  }
0xd: {  	s22 =	ssub.s32 $0x2, s8;
	_ =	strace $0x80000047;
	[dreg:$0x6] =	wrdreg s3  }
0xe: {  	s8 =	simm.s32 $0x2800;
	s9 =	sor.u32 s10, s9;
	[dreg:$0x10] =	wrdreg s26  }
0xf: {  	s24 =	sshrl.u32 s22, $0x1;
	[dreg:$0x12] =	wrdreg s30;
	s10 =	sshrl.u32 s9, $0x3  }
0x10: {  	[dreg:$0x13] =	wrdreg s31;
	s26 =	simm.s32 $0x6;
	s16 =	sadd.s32 s4, s10  }
0x11: {  	s17 =	sshll.u32 s9, $0x4;
	s5 =	sadd.s32 s5, s10;
	[dreg:$0x7] =	wrdreg s16  }
0x12: {  	s3 =	sadd.s32 s6, s17;
	s6 =	sshrl.u32 @!p0 s1, $0x3;
	[dreg:$0x8] =	wrdreg s5  }
0x13: {  	s10 =	simm.s32 $0x4800;
	s4 =	sadd.s32 $0x400, s3;
	[dreg:$0x11] =	wrdreg s6  }
0x14: {  	s17 =	simm.s32 $0x700;
	s18 =	sadd.s32 $0x800, s3;
	[dreg:$0x9] =	wrdreg s4  }
0x15: {  	s19 =	sadd.s32 $0xC00, s3;
	s20 =	sadd.s32 $0x1000, s3;
	[dreg:$0xa] =	wrdreg s18  }
0x16: {  	s21 =	sadd.s32 $0x1400, s3;
	s23 =	sadd.s32 $0x1800, s3;
	[dreg:$0xb] =	wrdreg s19  }
0x17: {  	s25 =	sadd.s32 $0x1C00, s3;
	s5 =	ssub.s32 s22, s24;
	[dreg:$0xc] =	wrdreg s20  }
0x18: {  	s6 =	simm.s32 $0x40;
	s16 =	simm.s32 $0xA800;
	[dreg:$0xd] =	wrdreg s21  }
0x19: {  	s22 =	simm.s32 $0x2;
	s24 =	simm.s32 $0x4;
	[dreg:$0xe] =	wrdreg s23  }
0x1a: {  	[dreg:$0xf] =	wrdreg s25;
	s4 =	smax.u32 s5, $0x1;
	s5 =	simm.s32 $0x9  }
0x1b: {  	s18 =	simm.s32 $0xC800;
	s19 =	simm.s32 $0x780;
	s20 =	simm.s32 $0xE800  }
0x1c: {  	s21 =	simm.s32 $0x1;
	s23 =	simm.s32 $0x3;
	s25 =	simm.s32 $0x5  }
.LBB2_1:
0x1d: {  	s30 =	rddreg [dreg:$0x7]  }
0x1e: {  	s31 =	rddreg [dreg:$0x10]  }
0x1f: {  	s0 =	rddreg [dreg:$0x6]  }
0x20: {  	[tilespmem:s2], [sflag:$0x9] =	stream.linear.gather [hbm4b:s30+s2], $0x200, $0x38;
	[tilespmem:$0x10880] =	vst v63  }
0x21: {  	s30 =	rddreg [dreg:$0x8]  }
0x22: {  	[tilespmem:s31], [sflag:$0x9] =	stream.linear.gather [hbm4b:s30+s2], $0x200, $0x38;
	[tilespmem:$0x10880] =	vst v63  }
0x23: {  	s9 =	rddreg [dreg:$0x11];
	s30 =	simm.s32 @!p0 $0x1C0A  }
0x24: {  	[spmem:s9], [sflag:s30] =	dma.local @!p0 [hbm:s0], $0x100  }
0x25: {  	s0 =	simm.s32 @!p0 $0xA  }
0x26: {  	_ =	swait.ge @!p0 [sflag:s0], $0x100  }
0x27: {  	[sflag:s0] =	ssyncset.done @!p0 $0x0  }
0x28: {  	[sflag:s0] =	ssyncadd.s32 @!p0 $0xFFFFFF00  }
0x29: {  	_ =	swait.ge [sflag:s5], $0x200  }
0x2a: {  	[sflag:s5] =	ssyncset.done $0x0  }
0x2b: {  	[sflag:s5] =	ssyncadd.s32 $0xFFFFFE00  }
0x2c: {  	_ =	swait.ge [sflag:s5], $0x200  }
0x2d: {  	[sflag:s5] =	ssyncset.done $0x0  }
0x2e: {  	[sflag:s5] =	ssyncadd.s32 $0xFFFFFE00  }
0x2f: {  	v0 =	vld [tilespmem:$0x0]  }
0x30: {  	v1 =	vld [tilespmem:$0x200]  }
0x31: {  	v2 =	vld [tilespmem:$0x10]  }
0x32: {  	v3 =	vld [tilespmem:$0x210]  }
0x33: {  	v4 =	vld [tilespmem:$0x20]  }
0x34: {  	v5 =	vld [tilespmem:$0x220]  }
0x35: {  	v6 =	vld [tilespmem:$0x30]  }
0x36: {  	v7 =	vld [tilespmem:$0x230]  }
0x37: {  	v8 =	vld [tilespmem:$0x40]  }
0x38: {  	v9 =	vld [tilespmem:$0x240]  }
0x39: {  	v10 =	vld [tilespmem:$0x50]  }
0x3a: {  	v11 =	vld [tilespmem:$0x250]  }
0x3b: {  	v12 =	vld [tilespmem:$0x60]  }
0x3c: {  	v13 =	vld [tilespmem:$0x260]  }
0x3d: {  	v14 =	vld [tilespmem:$0x70]  }
0x3e: {  	v15 =	vld [tilespmem:$0x270]  }
0x3f: {  	v16 =	vld [tilespmem:$0x80]  }
0x40: {  	v17 =	vld [tilespmem:$0x280]  }
0x41: {  	v18 =	vld [tilespmem:$0x90]  }
0x42: {  	v19 =	vld [tilespmem:$0x290]  }
0x43: {  	v20 =	vld [tilespmem:$0xA0]  }
0x44: {  	v21 =	vld [tilespmem:$0x2A0]  }
0x45: {  	v22 =	vld [tilespmem:$0xB0]  }
0x46: {  	v23 =	vld [tilespmem:$0x2B0]  }
0x47: {  	v24 =	vld [tilespmem:$0xC0]  }
0x48: {  	v25 =	vld [tilespmem:$0x2C0]  }
0x49: {  	v26 =	vld [tilespmem:$0xD0]  }
0x4a: {  	v27 =	vld [tilespmem:$0x2D0]  }
0x4b: {  	v28 =	vld [tilespmem:$0xE0]  }
0x4c: {  	v29 =	vld [tilespmem:$0x2E0]  }
0x4d: {  	v30 =	vld [tilespmem:$0xF0]  }
0x4e: {  	v31 =	vld [tilespmem:$0x2F0]  }
0x4f: {  	v32 =	vld [tilespmem:$0x100]  }
0x50: {  	v33 =	vld [tilespmem:$0x300]  }
0x51: {  	v34 =	vld [tilespmem:$0x110]  }
0x52: {  	v35 =	vld [tilespmem:$0x310];
	v0 =	vmul.u32 $0x3, v0  }
0x53: {  	v36 =	vld [tilespmem:$0x120];
	v2 =	vmul.u32 $0x3, v2  }
0x54: {  	v38 =	vld [tilespmem:$0x350];
	v54 =	vmul.u32 $0x3, v4;
	v0 =	vadd.s32 v1, v0  }
0x55: {  	v41 =	vld [tilespmem:$0x160];
	v56 =	vmul.u32 $0x3, v6;
	v55 =	vadd.s32 v3, v2;
	[tilespmem:$0x400] =	vst v0  }
0x56: {  	v44 =	vld [tilespmem:$0x360];
	v58 =	vmul.u32 $0x3, v8;
	v57 =	vadd.s32 v5, v54;
	[tilespmem:$0x410] =	vst v55  }
0x57: {  	v47 =	vld [tilespmem:$0x170];
	v60 =	vmul.u32 $0x3, v10;
	v59 =	vadd.s32 v7, v56;
	[tilespmem:$0x420] =	vst v57  }
0x58: {  	v50 =	vld [tilespmem:$0x370];
	v62 =	vmul.u32 $0x3, v12;
	v61 =	vadd.s32 v9, v58;
	[tilespmem:$0x430] =	vst v59  }
0x59: {  	v53 =	vld [tilespmem:$0x180];
	v12 =	vmul.u32 $0x3, v14;
	v63 =	vadd.s32 v11, v60;
	[tilespmem:$0x480] =	vst v61  }
0x5a: {  	v4 =	vld [tilespmem:$0x320];
	v37 =	vmul.u32 $0x3, v16;
	v14 =	vadd.s32 v13, v62;
	[tilespmem:$0x490] =	vst v63  }
0x5b: {  	v6 =	vld [tilespmem:$0x140];
	v40 =	vmul.u32 $0x3, v18;
	v39 =	vadd.s32 v15, v12;
	[tilespmem:$0x4A0] =	vst v14  }
0x5c: {  	v8 =	vld [tilespmem:$0x150];
	v43 =	vmul.u32 $0x3, v20;
	v42 =	vadd.s32 v17, v37;
	[tilespmem:$0x4B0] =	vst v39  }
0x5d: {  	v46 =	vmul.u32 $0x3, v22;
	v22 =	vld [tilespmem:$0x1A0];
	v45 =	vadd.s32 v19, v40;
	[tilespmem:$0x500] =	vst v42  }
0x5e: {  	v49 =	vmul.u32 $0x3, v24;
	v3 =	vld [tilespmem:$0x130];
	v48 =	vadd.s32 v21, v43;
	[tilespmem:$0x510] =	vst v45  }
0x5f: {  	v24 =	vmul.u32 $0x3, v36;
	v36 =	vmul.u32 $0x3, v41;
	v5 =	vld [tilespmem:$0x330];
	v51 =	vadd.s32 v23, v46;
	[tilespmem:$0x520] =	vst v48  }
0x60: {  	v52 =	vmul.u32 $0x3, v26;
	v7 =	vld [tilespmem:$0x340];
	v54 =	vadd.s32 v25, v49;
	[tilespmem:$0x530] =	vst v51  }
0x61: {  	v56 =	vld [tilespmem:$0x380];
	v58 =	vmul.u32 $0x3, v30;
	v41 =	vadd.s32 v44, v36;
	[tilespmem:$0x580] =	vst v54  }
0x62: {  	v62 =	vld [tilespmem:$0x390];
	v21 =	vmul.u32 $0x3, v34;
	v57 =	vadd.s32 v27, v52;
	[tilespmem:$0x6A0] =	vst v41  }
0x63: {  	v25 =	vld [tilespmem:$0x3A0];
	v55 =	vmul.u32 $0x3, v28;
	[tilespmem:$0x590] =	vst v57;
	v63 =	vadd.s32 v31, v58  }
0x64: {  	v34 =	vld [tilespmem:$0x1C0];
	v61 =	vmul.u32 $0x3, v32;
	v26 =	vadd.s32 v35, v21;
	[tilespmem:$0x5B0] =	vst v63  }
0x65: {  	v37 =	vld [tilespmem:$0x3C0];
	v60 =	vadd.s32 v29, v55;
	[tilespmem:$0x610] =	vst v26  }
0x66: {  	v40 =	vld [tilespmem:$0x1D0];
	v39 =	vmul.u32 $0x3, v47;
	v23 =	vadd.s32 v33, v61;
	[tilespmem:$0x5A0] =	vst v60  }
0x67: {  	v43 =	vld [tilespmem:$0x3D0];
	v29 =	vadd.s32 v4, v24;
	v30 =	vmul.u32 $0x3, v6;
	[tilespmem:$0x600] =	vst v23  }
0x68: {  	v46 =	vld [tilespmem:$0x1E0];
	v33 =	vmul.u32 $0x3, v8;
	v44 =	vadd.s32 v50, v39;
	[tilespmem:$0x620] =	vst v29  }
0x69: {  	v59 =	vld [tilespmem:$0x190];
	v42 =	vmul.u32 $0x3, v53;
	[tilespmem:$0x6B0] =	vst v44;
	v35 =	vadd.s32 v7, v30  }
0x6a: {  	v28 =	vld [tilespmem:$0x1B0];
	v48 =	vmul.u32 $0x3, v22;
	v38 =	vadd.s32 v38, v33;
	[tilespmem:$0x680] =	vst v35  }
0x6b: {  	v49 =	vld [tilespmem:$0x1F0];
	v27 =	vmul.u32 $0x3, v3;
	v47 =	vadd.s32 v56, v42;
	[tilespmem:$0x690] =	vst v38  }
0x6c: {  	v31 =	vld [tilespmem:$0x3B0];
	v53 =	vadd.s32 v25, v48;
	v54 =	vmul.u32 $0x3, v34;
	[tilespmem:$0x700] =	vst v47  }
0x6d: {  	v52 =	vld [tilespmem:$0x3E0];
	v57 =	vmul.u32 $0x3, v40;
	[tilespmem:$0x720] =	vst v53;
	v32 =	vadd.s32 v5, v27  }
0x6e: {  	v55 =	vld [tilespmem:$0x3F0];
	v45 =	vmul.u32 $0x3, v59;
	v58 =	vadd.s32 v37, v54;
	[tilespmem:$0x630] =	vst v32  }
0x6f: {  	v51 =	vmul.u32 $0x3, v28;
	v60 =	vadd.s32 v43, v57;
	[tilespmem:$0x780] =	vst v58  }
0x70: {  	v59 =	vmul.u32 $0x3, v46;
	v50 =	vadd.s32 v62, v45;
	[tilespmem:$0x790] =	vst v60  }
0x71: {  	v61 =	vmul.u32 $0x3, v49;
	v56 =	vadd.s32 v31, v51;
	[tilespmem:$0x710] =	vst v50  }
0x72: {  	v62 =	vadd.s32 v52, v59;
	[tilespmem:$0x730] =	vst v56  }
0x73: {  	v63 =	vadd.s32 v55, v61;
	[tilespmem:$0x7A0] =	vst v62  }
0x74: {  	[tilespmem:$0x7B0] =	vst v63  }
0x75: {  	[bflag:$0x0] =	sbarrier.arrive $0xFFFF  }
0x76: {  	s30 =	rddreg [dreg:$0x12]  }
0x77: {  	[tilespmem:s7], [sflag:$0x1] =	stream.indirect.gather [spmem:s1], $0x80, s30, s6, $0xb8;
	[tilespmem:$0x10880] =	vst v63  }
0x78: {  	s31 =	rddreg [dreg:$0x13]  }
0x79: {  	[tilespmem:s8], [sflag:$0x2] =	stream.indirect.gather [spmem:s1], $0x80, s31, s6, $0xb8;
	[tilespmem:$0x10880] =	vst v63  }
0x7a: {  	s30 =	simm.s32 $0x500  }
0x7b: {  	[tilespmem:s10], [sflag:$0x3] =	stream.indirect.gather [spmem:s1], $0x80, s30, s6, $0xb8;
	[tilespmem:$0x10880] =	vst v63  }
0x7c: {  	_ = 	snop  }
0x7d: {  	[tilespmem:s12], [sflag:$0x4] =	stream.indirect.gather [spmem:s1], $0x80, s11, s6, $0xb8;
	[tilespmem:$0x10880] =	vst v63  }
0x7e: {  	_ = 	snop  }
0x7f: {  	[tilespmem:s14], [sflag:$0x5] =	stream.indirect.gather [spmem:s1], $0x80, s13, s6, $0xb8;
	[tilespmem:$0x10880] =	vst v63  }
0x80: {  	_ = 	snop  }
0x81: {  	[tilespmem:s16], [sflag:$0x6] =	stream.indirect.gather [spmem:s1], $0x80, s15, s6, $0xb8;
	[tilespmem:$0x10880] =	vst v63  }
0x82: {  	_ = 	snop  }
0x83: {  	[tilespmem:s18], [sflag:$0x7] =	stream.indirect.gather [spmem:s1], $0x80, s17, s6, $0xb8;
	[tilespmem:$0x10880] =	vst v63  }
0x84: {  	_ = 	snop  }
0x85: {  	[tilespmem:s20], [sflag:$0x8] =	stream.indirect.gather [spmem:s1], $0x80, s19, s6, $0xb8;
	[tilespmem:$0x10880] =	vst v63  }
0x86: {  	_ =	swait.ge [sflag:s21], $0x2000  }
0x87: {  	[sflag:s21] =	ssyncset.done $0x0  }
0x88: {  	[sflag:s21] =	ssyncadd.s32 $0xFFFFE000  }
0x89: {  	[hbm4b:s3+s2] =	stream.linear.scatter [tilespmem:s7], [sflag:$0x9], $0x2000, $0x38;
	[tilespmem:$0x10880] =	vst v63  }
0x8a: {  	_ =	swait.ge [sflag:s22], $0x2000  }
0x8b: {  	[sflag:s22] =	ssyncset.done $0x0  }
0x8c: {  	s31 =	rddreg [dreg:$0x9];
	[sflag:s22] =	ssyncadd.s32 $0xFFFFE000  }
0x8d: {  	[hbm4b:s31+s2] =	stream.linear.scatter [tilespmem:s8], [sflag:$0x9], $0x2000, $0x38;
	[tilespmem:$0x10880] =	vst v63  }
0x8e: {  	_ =	swait.ge [sflag:s23], $0x2000  }
0x8f: {  	[sflag:s23] =	ssyncset.done $0x0  }
0x90: {  	s9 =	rddreg [dreg:$0xa];
	[sflag:s23] =	ssyncadd.s32 $0xFFFFE000  }
0x91: {  	[hbm4b:s9+s2] =	stream.linear.scatter [tilespmem:s10], [sflag:$0x9], $0x2000, $0x38;
	[tilespmem:$0x10880] =	vst v63  }
0x92: {  	_ =	swait.ge [sflag:s24], $0x2000  }
0x93: {  	[sflag:s24] =	ssyncset.done $0x0  }
0x94: {  	s30 =	rddreg [dreg:$0xb];
	[sflag:s24] =	ssyncadd.s32 $0xFFFFE000  }
0x95: {  	[hbm4b:s30+s2] =	stream.linear.scatter [tilespmem:s12], [sflag:$0x9], $0x2000, $0x38;
	[tilespmem:$0x10880] =	vst v63  }
0x96: {  	_ =	swait.ge [sflag:s25], $0x2000  }
0x97: {  	[sflag:s25] =	ssyncset.done $0x0  }
0x98: {  	s31 =	rddreg [dreg:$0xc];
	[sflag:s25] =	ssyncadd.s32 $0xFFFFE000  }
0x99: {  	[hbm4b:s31+s2] =	stream.linear.scatter [tilespmem:s14], [sflag:$0x9], $0x2000, $0x38;
	[tilespmem:$0x10880] =	vst v63  }
0x9a: {  	_ =	swait.ge [sflag:s26], $0x2000  }
0x9b: {  	[sflag:s26] =	ssyncset.done $0x0  }
0x9c: {  	s9 =	rddreg [dreg:$0xd];
	[sflag:s26] =	ssyncadd.s32 $0xFFFFE000  }
0x9d: {  	[hbm4b:s9+s2] =	stream.linear.scatter [tilespmem:s16], [sflag:$0x9], $0x2000, $0x38;
	[tilespmem:$0x10880] =	vst v63  }
0x9e: {  	_ =	swait.ge [sflag:s28], $0x2000  }
0x9f: {  	[sflag:s28] =	ssyncset.done $0x0  }
0xa0: {  	s30 =	rddreg [dreg:$0xe];
	[sflag:s28] =	ssyncadd.s32 $0xFFFFE000  }
0xa1: {  	[hbm4b:s30+s2] =	stream.linear.scatter [tilespmem:s18], [sflag:$0x9], $0x2000, $0x38;
	[tilespmem:$0x10880] =	vst v63  }
0xa2: {  	_ =	swait.ge [sflag:s29], $0x2000  }
0xa3: {  	[sflag:s29] =	ssyncset.done $0x0  }
0xa4: {  	s31 =	rddreg [dreg:$0xf];
	[sflag:s29] =	ssyncadd.s32 $0xFFFFE000  }
0xa5: {  	[hbm4b:s31+s2] =	stream.linear.scatter [tilespmem:s20], [sflag:$0x9], $0x2000, $0x38;
	[tilespmem:$0x10880] =	vst v63  }
0xa6: {  	_ =	swait.ge [sflag:s5], $0x2000  }
0xa7: {  	[sflag:s5] =	ssyncset.done $0x0  }
0xa8: {  	[sflag:s5] =	ssyncadd.s32 $0xFFFFE000  }
0xa9: {  	_ =	swait.ge [sflag:s5], $0x2000  }
0xaa: {  	[sflag:s5] =	ssyncset.done $0x0  }
0xab: {  	[sflag:s5] =	ssyncadd.s32 $0xFFFFE000  }
0xac: {  	_ =	swait.ge [sflag:s5], $0x2000  }
0xad: {  	[sflag:s5] =	ssyncset.done $0x0  }
0xae: {  	[sflag:s5] =	ssyncadd.s32 $0xFFFFE000  }
0xaf: {  	_ =	swait.ge [sflag:s5], $0x2000  }
0xb0: {  	[sflag:s5] =	ssyncset.done $0x0  }
0xb1: {  	[sflag:s5] =	ssyncadd.s32 $0xFFFFE000  }
0xb2: {  	_ =	swait.ge [sflag:s5], $0x2000  }
0xb3: {  	[sflag:s5] =	ssyncset.done $0x0  }
0xb4: {  	[sflag:s5] =	ssyncadd.s32 $0xFFFFE000  }
0xb5: {  	_ =	swait.ge [sflag:s5], $0x2000  }
0xb6: {  	[sflag:s5] =	ssyncset.done $0x0  }
0xb7: {  	s4 =	sadd.s32 $0xFFFFFFFF, s4;
	[sflag:s5] =	ssyncadd.s32 $0xFFFFE000  }
0xb8: {  	p1 =	sne.s32 s4, $0x0;
	_ =	swait.ge [sflag:s5], $0x2000  }
.Ltmp0:
0xb9: {  	[sflag:s5] =	ssyncset.done $0x0;
	(pc) =	sbr.rel @p1 .LBB2_1-.Ltmp0, $4  }
0xba: {  	[sflag:s5] =	ssyncadd.s32 $0xFFFFE000  }
0xbb: {  	_ =	swait.ge [sflag:s5], $0x2000  }
0xbc: {  	[sflag:s5] =	ssyncset.done $0x0  }
0xbd: {  	[sflag:s5] =	ssyncadd.s32 $0xFFFFE000  }
0xbe: {  	_ =	sfence.sel $0x180000  }
0xbf: {  	[bflag:$0x0] =	sbarrier.arrive $0xFFFF  }
0xc0: {  	_ =	strace $0x90000047  }
0xc1: {  	[bflag:$0x2] =	sbarrier.arrive $0xFFFF  }
0xc2: {  	s0 =	rddreg [dreg:$0x5]  }
0xc3: {  	s0 =	sadd.s32 @!p0 $0x100000, s0  }
0xc4: {  	[sflag:s0] =	ssyncadd.tile.s32 @!p0 $0x1;
	_ =	shalt  }
.Lfunc_end2:
_tile_overlayer_lowered:
.L_overlay_start_2:
0xc5: {  	(tag) =	ssettag $0x2  }
0xc6: {  	s0 =	rddreg [dreg:$0x0];
	s2 =	stileid.u32  }
0xc7: {  	s1 =	rddreg [dreg:$0x1];
	p0 =	sne.s32 s2, $0x0  }
0xc8: {  	s3 =	rddreg [dreg:$0x2];
	[bflag:$0x3] =	sbarrier.arrive $0xFFFF;
	s2 =	simm.s32 @!p0 $0x1C0A  }
0xc9: {  	[timem:s3], [sflag:s2] =	dma.local @!p0 [hbm:s0], s1  }
0xca: {  	s0 =	simm.s32 @!p0 $0xA  }
0xcb: {  	_ =	swait.ge @!p0 [sflag:s0], s1  }
0xcc: {  	s1 =	ssub.s32 @!p0 $0x0, s1;
	[sflag:s0] =	ssyncset.done @!p0 $0x0  }
0xcd: {  	[sflag:s0] =	ssyncadd.s32 @!p0 s1  }
0xce: {  	[bflag:$0x3] =	sbarrier.arrive $0xFFFF  }
0xcf: {  	_ =	shalt  }

</sc_bundles>
